<compile_context>
chip_gen: v7x
topology: tpu7x:2x2x1
jax: 0.10.2.dev20260603
libtpu: 0.0.44.dev20260713+nightly
codegen_flags: <defaults>
</compile_context>

<pallas_src>
import functools

import jax
import jax.numpy as jnp
from jax import lax
from jax.experimental import pallas as pl
from jax.experimental.pallas import tpu as pltpu
from jax.experimental.pallas import tpu_sc as plsc

SR = 44100.0
L = 4097
T = 441000
NROW = 8
CW = 1024
RL = 57344
NCH = RL // CW
TPAD0 = NROW * RL
WTROWS = 4240
WIN = 128
BLK = 1024
OUT_BLK = 8192
SUBS = OUT_BLK // BLK
BPR = RL // OUT_BLK
SPLIT = 53 * OUT_BLK
NBT = (T - SPLIT + OUT_BLK - 1) // OUT_BLK
TC_OFF = SPLIT // OUT_BLK
SCB = 1024
NBLK_SC = SPLIT // SCB
NW = 32
BPW = (NBLK_SC + NW - 1) // NW


def _cumsum_kernel(inc_ref, idx_ref):
    inc0 = inc_ref[0, 0]
    lane = jax.lax.broadcasted_iota(jnp.int32, (NROW, CW), 1)
    sub = jax.lax.broadcasted_iota(jnp.int32, (NROW, 1), 0)

    def scan_body(j, carry):
        hi, comp = carry
        x = inc_ref[:, pl.ds(j * CW, CW)]
        cs = x
        for sh in (1, 2, 4, 8, 16, 32, 64, 128, 256, 512):
            cs = cs + jnp.where(lane >= sh, pltpu.roll(cs, sh, 1), 0.0)
        idx_ref[:, pl.ds(j * CW, CW)] = hi + (cs - comp)
        tot = jnp.sum(x, axis=1, keepdims=True)
        y = tot - comp
        t_new = hi + y
        return t_new, (t_new - hi) - y

    z = jnp.zeros((NROW, 1), jnp.float32)
    hi, comp = jax.lax.fori_loop(0, NCH, scan_body, (z, z))

    def shift1(v, sh):
        return jnp.where(sub >= sh, pltpu.roll(v, sh, 0), 0.0)

    eh, el = shift1(hi, 1), shift1(-comp, 1)
    for sh in (1, 2, 4):
        rh, rl = shift1(eh, sh), shift1(el, sh)
        s = eh + rh
        bb = s - eh
        err = (eh - (s - bb)) + (rh - bb)
        eh, el = s, el + (rl + err)

    def fix_body(j, _):
        v = idx_ref[:, pl.ds(j * CW, CW)]
        x = (eh + (v + el)) - inc0
        q = jnp.floor(x * (1.0 / L))
        m = x - q * L
        m = jnp.where(m < 0.0, m + L, m)
        idx_ref[:, pl.ds(j * CW, CW)] = jnp.where(m >= L, m - L, m)
        return 0

    jax.lax.fori_loop(0, NCH, fix_body, 0)


def _tc_mix_kernel(idx_ref, amp_ref, att_ref, wt_ref, out_ref):
    j = jax.lax.broadcasted_iota(jnp.int32, (WIN, BLK), 0)
    for k in range(SUBS):
        sl = pl.ds(k * BLK, BLK)
        idxv = idx_ref[0, 0:1, sl]
        base_f = jnp.floor(idx_ref[0, 0, k * BLK])
        sa = (base_f.astype(jnp.int32) // 16) * 16
        off = idxv - sa.astype(jnp.float32)
        off = jnp.where(off < -1024.0, off + L, off)
        off = jnp.maximum(off, 0.0)
        ilf = jnp.floor(off)
        alpha = off - ilf
        il = ilf.astype(jnp.int32)

        onehot = (j == il).astype(jnp.bfloat16)
        w = wt_ref[pl.ds(sa, WIN), :]
        res = jax.lax.dot_general(
            w, onehot, (((0,), (0,)), ((), ())),
            preferred_element_type=jnp.float32)
        interp = (res[0:64] + res[64:128]) + alpha * res[128:192]

        a = att_ref[:, sl]
        m = jnp.max(a, axis=0, keepdims=True)
        e = jnp.exp(a - m)
        den = jnp.sum(e, axis=0, keepdims=True)
        num = jnp.sum(interp * e, axis=0, keepdims=True)
        out_ref[:, sl] = num / den * amp_ref[:, sl]


def _sc_mix(off_hbm, rows_hbm, att_hbm, amp_hbm, wt_hbm, out_hbm,
            off_v, amp_v, att_v, win_v, out_v, rowidx_v, sem):
    wid = lax.axis_index("s") * 2 + lax.axis_index("c")
    b0 = wid * BPW
    nblk_w = jnp.maximum(jnp.minimum(NBLK_SC - b0, BPW), 0)

    def block_body(bi, _):
        b = b0 + bi
        start = b * SCB
        pltpu.sync_copy(off_hbm.at[pl.ds(start, SCB)], off_v)
        pltpu.sync_copy(amp_hbm.at[pl.ds(start, SCB)], amp_v)
        pltpu.sync_copy(att_hbm.at[:, pl.ds(start, SCB)], att_v)
        pltpu.sync_copy(rows_hbm.at[b], rowidx_v)
        pltpu.async_copy(wt_hbm.at[rowidx_v], win_v, sem).wait()

        def group(g, _):
            gsl = pl.ds(g * 16, 16)
            off = off_v[gsl]
            ili = off.astype(jnp.int32)
            alpha = off - ili.astype(jnp.float32)
            ihi = ili + 1

            def mx(n, m):
                return jnp.maximum(m, att_v[n, gsl])

            m = lax.fori_loop(0, 64, mx, jnp.full((16,), -1e30, jnp.float32))

            def p2(n, carry):
                s, acc = carry
                e = jnp.exp(att_v[n, gsl] - m)
                f = alpha + ihi.astype(jnp.float32)
                return s + e, acc + e * f

            z16 = jnp.zeros((16,), jnp.float32)
            s, acc = lax.fori_loop(0, 64, p2, (z16, z16))
            out_v[gsl] = acc / s * amp_v[gsl]
            return 0

        lax.fori_loop(0, SCB // 16, group, 0)
        pltpu.sync_copy(out_v, out_hbm.at[pl.ds(start, SCB)])
        return 0

    lax.fori_loop(0, nblk_w, block_body, 0)


@jax.jit
def _run(pitch, amplitude, wavetables, attention):
    wt = jnp.concatenate([wavetables[:, :-1], wavetables[:, :1]], axis=-1)
    wtx = jnp.concatenate([wt, wt[:, :WIN + 1]], axis=-1).T
    base = wtx[:-1]
    delta = wtx[1:] - wtx[:-1]
    whi = base.astype(jnp.bfloat16)
    wlo = (base - whi.astype(jnp.float32)).astype(jnp.bfloat16)
    wcat = jnp.concatenate(
        [whi, wlo, delta.astype(jnp.bfloat16)], axis=1)
    wcat = jnp.pad(wcat, ((0, WTROWS - (L + WIN)), (0, 0)))
    wsc = jnp.pad(base, ((0, WTROWS - (L + WIN)), (0, 64)))

    inc = pitch / SR * L
    inc_p = jnp.pad(inc, (0, TPAD0 - T)).reshape(NROW, RL)
    idx = pl.pallas_call(
        _cumsum_kernel,
        out_shape=jax.ShapeDtypeStruct((NROW, RL), jnp.float32),
    )(inc_p)

    amp = amplitude.reshape(1, T)
    idx_sc = idx.reshape(TPAD0)[:SPLIT].reshape(NBLK_SC, SCB)
    sa_i = (jnp.floor(idx_sc[:, 0:1]).astype(jnp.int32) // 16) * 16
    off2d = idx_sc - sa_i.astype(jnp.float32)
    off2d = jnp.where(off2d < -1024.0, off2d + L, off2d)
    off2d = jnp.maximum(off2d, 0.0)
    rows = sa_i + jnp.arange(WIN, dtype=jnp.int32)[None, :]

    mesh = plsc.VectorSubcoreMesh(core_axis_name="c", subcore_axis_name="s")
    sc = functools.partial(
        pl.kernel, mesh=mesh,
        out_type=jax.ShapeDtypeStruct((SPLIT,), jnp.float32),
        scratch_types=[
            pltpu.VMEM((SCB,), jnp.float32),
            pltpu.VMEM((SCB,), jnp.float32),
            pltpu.VMEM((64, SCB), jnp.float32),
            pltpu.VMEM((WIN, 128), jnp.float32),
            pltpu.VMEM((SCB,), jnp.float32),
            pltpu.VMEM((WIN,), jnp.int32),
            pltpu.SemaphoreType.DMA,
        ],
    )(_sc_mix)
    out_sc = sc(off2d.reshape(SPLIT), rows, attention,
                amplitude.reshape(T), wsc)

    out_tc = pl.pallas_call(
        _tc_mix_kernel,
        grid=(NBT,),
        in_specs=[
            pl.BlockSpec((1, 1, OUT_BLK),
                         lambda i: ((i + TC_OFF) // BPR, 0, (i + TC_OFF) % BPR)),
            pl.BlockSpec((1, OUT_BLK), lambda i: (0, i + TC_OFF)),
            pl.BlockSpec((64, OUT_BLK), lambda i: (0, i + TC_OFF)),
            pl.BlockSpec((WTROWS, 192), lambda i: (0, 0)),
        ],
        out_specs=pl.BlockSpec((1, OUT_BLK), lambda i: (0, i)),
        out_shape=jax.ShapeDtypeStruct((1, T - SPLIT), jnp.float32),
        compiler_params=pltpu.CompilerParams(
            dimension_semantics=("arbitrary",)),
    )(idx.reshape(NROW, 1, RL), amp, attention, wcat)

    out = jnp.concatenate([out_sc, out_tc.reshape(T - SPLIT)])
    return out.reshape(1, T, 1)


def kernel(pitch, amplitude, wavetables, attention, duration_secs):
    del duration_secs
    return _run(pitch, amplitude, wavetables, attention)

# --- scband reference (transcript-rebuilt; emitter-appended) ---
"""Pipeline reference for scband-wavetable-synth-36447092474141 (READ-ONLY COPY).

The authoritative reference and input builder live on the scoring server;
editing this copy changes nothing except your own understanding.
"""

import jax, jax.numpy as jnp
import numpy as np

SR = 44100
N_WT = 64
WT_LEN = 4096
DUR = 10
T = SR * DUR


def setup_inputs(seed: int = 0) -> dict:
    key = jax.random.key(seed)
    k1, k2, k3, k4 = jax.random.split(key, 4)
    pitch = jax.random.uniform(k1, (T,), dtype=jnp.float32)
    amplitude = jax.random.uniform(k2, (1, T, 1), dtype=jnp.float32)
    # learned parameters sized per init_kwargs
    wavetables = jax.random.normal(k3, (N_WT, WT_LEN + 1), dtype=jnp.float32) * 0.001
    # enforce periodic wrap (as the torch ctor does)
    wavetables = jnp.concatenate([wavetables[:, :-1], wavetables[:, :1]], axis=-1)
    attention = jax.random.normal(k4, (N_WT, T), dtype=jnp.float32)
    return {
        "pitch": pitch,
        "amplitude": amplitude,
        "wavetables": wavetables,
        "attention": attention,
        "duration_secs": DUR,
    }


def reference(pitch, amplitude, wavetables, attention, duration_secs):
    sr = SR
    # re-tie last sample to first (done every forward in torch code)
    wt = jnp.concatenate([wavetables[:, :-1], wavetables[:, :1]], axis=-1)  # (N_WT, L)
    L = wt.shape[1]
    freq = pitch  # (T,)
    increment = freq / sr * L
    index = jnp.cumsum(increment) - increment[0]
    index = index % L
    index_low = jnp.floor(index)
    index_high = jnp.ceil(index)
    alpha = index - index_low
    il = index_low.astype(jnp.int32)
    ih = index_high.astype(jnp.int32) % L
    # gather for all wavetables at once: (N_WT, T)
    low = jnp.take(wt, il, axis=1)
    high = jnp.take(wt, ih, axis=1)
    waveforms = low + alpha[None, :] * (high - low)
    att = jax.nn.softmax(attention, axis=0)  # (N_WT, T)
    out = jnp.sum(waveforms * att, axis=0)  # (T,)
    out = out[None, :, None]  # (1, T, 1)
    out = out * amplitude  # amplitude given as (1, T, 1)
    return out

if __name__ == "__main__":
    import jax
    _d = setup_inputs()
    print(jax.jit(kernel)(*tuple(_d.values())))

</pallas_src>

<mosaic_0001>
#map = affine_map<(d0, d1) -> (0)>
#map1 = affine_map<(d0, d1) -> (0, 0)>
module attributes {stable_mosaic.version = 14 : i64} {
  func.func @_sc_mix(%arg0: i32, %arg1: i32, %arg2: memref<434176xf32, #tpu.memory_space<hbm>>, %arg3: memref<424x128xi32, #tpu.memory_space<hbm>>, %arg4: memref<64x441000xf32, #tpu.memory_space<hbm>>, %arg5: memref<441000xf32, #tpu.memory_space<hbm>>, %arg6: memref<4240x128xf32, #tpu.memory_space<hbm>>, %arg7: memref<434176xf32, #tpu.memory_space<hbm>>, %arg8: memref<1024xf32, #tpu.memory_space<vmem>>, %arg9: memref<1024xf32, #tpu.memory_space<vmem>>, %arg10: memref<64x1024xf32, #tpu.memory_space<vmem>>, %arg11: memref<128x128xf32, #tpu.memory_space<vmem>>, %arg12: memref<1024xf32, #tpu.memory_space<vmem>>, %arg13: memref<128xi32, #tpu.memory_space<vmem>>, %arg14: memref<!tpu.dma_semaphore, #tpu.memory_space<semaphore_mem>>) attributes {dimension_semantics = [#tpu.dimension_semantics<core_parallel>, #tpu.dimension_semantics<subcore_parallel>], iteration_bounds = array<i64: 2, 16>, scalar_prefetch = 0 : i64, scratch_operands = 7 : i64, tpu.core_type = #tpu.core_type<sc_vector_subcore>, window_params = [{transform_indices = #map}, {transform_indices = #map1}, {transform_indices = #map1}, {transform_indices = #map}, {transform_indices = #map1}, {transform_indices = #map}]} {
    %mul3A = arith.constant 2 : i32
    %mul3A_0 = arith.muli %arg1, %mul3A : i32
    %add3A = arith.addi %mul3A_0, %arg0 : i32
    %mul3A_1 = arith.constant 14 : i32
    %mul3A_2 = arith.muli %add3A, %mul3A_1 : i32
    %sub3A = arith.constant 424 : i32
    %sub3A_3 = arith.subi %sub3A, %mul3A_2 : i32
    %min3A = arith.constant 14 : i32
    %min3A_4 = arith.minsi %sub3A_3, %min3A : i32
    %max3A = arith.constant 0 : i32
    %max3A_5 = arith.maxsi %min3A_4, %max3A : i32
    %while3A = arith.constant 0 : i32
    %while3A_6 = arith.constant 0 : i32
    %while3A_7 = arith.subi %max3A_5, %while3A : i32
    %while3A_8 = arith.addi %while3A, %while3A_7 : i32
    %while3A_9 = arith.constant 1 : i32
    %while3A_10 = arith.divsi %while3A_7, %while3A_9 : i32
    %while3A_11 = arith.muli %while3A_10, %while3A_9 : i32
    %while3A_12 = arith.addi %while3A, %while3A_11 : i32
    %while3A_13 = arith.constant 1 : i32
    %while3A_14 = scf.for %while3A_17 = %while3A to %while3A_12 step %while3A_13 iter_args(%while3A_18 = %while3A_6) -> (i32)  : i32 {
      %add3A_19 = arith.addi %mul3A_2, %while3A_17 : i32
      %mul3A_20 = arith.constant 1024 : i32
      %mul3A_21 = arith.muli %add3A_19, %mul3A_20 : i32
      "tpu.region"() ({
        %run_scoped3A = tpu.sem_alloc : memref<!tpu.dma_semaphore, #tpu.memory_space<semaphore_mem>>
        %dma_start3A_33 = tpu.memref_slice %arg2[%mul3A_21] : memref<434176xf32, #tpu.memory_space<hbm>> -> memref<1024xf32, #tpu.memory_space<hbm>>
        %dma_start3A_34 = tpu.memref_slice %arg2[%mul3A_21] : memref<434176xf32, #tpu.memory_space<hbm>> -> memref<1024xf32, #tpu.memory_space<hbm>>
        tpu.enqueue_dma source(%dma_start3A_34 : memref<1024xf32, #tpu.memory_space<hbm>>) target(%arg8 : memref<1024xf32, #tpu.memory_space<vmem>>) target_semaphore(%run_scoped3A : memref<!tpu.dma_semaphore, #tpu.memory_space<semaphore_mem>>)
        %dma_wait3A_35 = tpu.memref_slice %arg2[%mul3A_21] : memref<434176xf32, #tpu.memory_space<hbm>> -> memref<1024xf32, #tpu.memory_space<hbm>>
        %dma_wait3A_36 = tpu.memref_slice %arg2[%mul3A_21] : memref<434176xf32, #tpu.memory_space<hbm>> -> memref<1024xf32, #tpu.memory_space<hbm>>
        tpu.wait_dma2 semaphore(%run_scoped3A : memref<!tpu.dma_semaphore, #tpu.memory_space<semaphore_mem>>) src(%dma_wait3A_36 : memref<1024xf32, #tpu.memory_space<hbm>>) dst(%arg8 : memref<1024xf32, #tpu.memory_space<vmem>>)
        tpu.yield
      }) : () -> ()
      "tpu.region"() ({
        %run_scoped3A = tpu.sem_alloc : memref<!tpu.dma_semaphore, #tpu.memory_space<semaphore_mem>>
        %dma_start3A_33 = tpu.memref_slice %arg5[%mul3A_21] : memref<441000xf32, #tpu.memory_space<hbm>> -> memref<1024xf32, #tpu.memory_space<hbm>>
        %dma_start3A_34 = tpu.memref_slice %arg5[%mul3A_21] : memref<441000xf32, #tpu.memory_space<hbm>> -> memref<1024xf32, #tpu.memory_space<hbm>>
        tpu.enqueue_dma source(%dma_start3A_34 : memref<1024xf32, #tpu.memory_space<hbm>>) target(%arg9 : memref<1024xf32, #tpu.memory_space<vmem>>) target_semaphore(%run_scoped3A : memref<!tpu.dma_semaphore, #tpu.memory_space<semaphore_mem>>)
        %dma_wait3A_35 = tpu.memref_slice %arg5[%mul3A_21] : memref<441000xf32, #tpu.memory_space<hbm>> -> memref<1024xf32, #tpu.memory_space<hbm>>
        %dma_wait3A_36 = tpu.memref_slice %arg5[%mul3A_21] : memref<441000xf32, #tpu.memory_space<hbm>> -> memref<1024xf32, #tpu.memory_space<hbm>>
        tpu.wait_dma2 semaphore(%run_scoped3A : memref<!tpu.dma_semaphore, #tpu.memory_space<semaphore_mem>>) src(%dma_wait3A_36 : memref<1024xf32, #tpu.memory_space<hbm>>) dst(%arg9 : memref<1024xf32, #tpu.memory_space<vmem>>)
        tpu.yield
      }) : () -> ()
      "tpu.region"() ({
        %run_scoped3A = tpu.sem_alloc : memref<!tpu.dma_semaphore, #tpu.memory_space<semaphore_mem>>
        %dma_start3A_33 = arith.constant 0 : i32
        %dma_start3A_34 = tpu.memref_slice %arg4[%dma_start3A_33, %mul3A_21] : memref<64x441000xf32, #tpu.memory_space<hbm>> -> memref<64x1024xf32, #tpu.memory_space<hbm>>
        %dma_start3A_35 = arith.constant 0 : i32
        %dma_start3A_36 = tpu.memref_slice %arg4[%dma_start3A_35, %mul3A_21] : memref<64x441000xf32, #tpu.memory_space<hbm>> -> memref<64x1024xf32, #tpu.memory_space<hbm>>
        tpu.enqueue_dma source(%dma_start3A_36 : memref<64x1024xf32, #tpu.memory_space<hbm>>) target(%arg10 : memref<64x1024xf32, #tpu.memory_space<vmem>>) target_semaphore(%run_scoped3A : memref<!tpu.dma_semaphore, #tpu.memory_space<semaphore_mem>>)
        %dma_wait3A_37 = arith.constant 0 : i32
        %dma_wait3A_38 = tpu.memref_slice %arg4[%dma_wait3A_37, %mul3A_21] : memref<64x441000xf32, #tpu.memory_space<hbm>> -> memref<64x1024xf32, #tpu.memory_space<hbm>>
        %dma_wait3A_39 = arith.constant 0 : i32
        %dma_wait3A_40 = tpu.memref_slice %arg4[%dma_wait3A_39, %mul3A_21] : memref<64x441000xf32, #tpu.memory_space<hbm>> -> memref<64x1024xf32, #tpu.memory_space<hbm>>
        tpu.wait_dma2 semaphore(%run_scoped3A : memref<!tpu.dma_semaphore, #tpu.memory_space<semaphore_mem>>) src(%dma_wait3A_40 : memref<64x1024xf32, #tpu.memory_space<hbm>>) dst(%arg10 : memref<64x1024xf32, #tpu.memory_space<vmem>>)
        tpu.yield
      }) : () -> ()
      "tpu.region"() ({
        %run_scoped3A = tpu.sem_alloc : memref<!tpu.dma_semaphore, #tpu.memory_space<semaphore_mem>>
        %dma_start3A_33 = arith.constant 0 : i32
        %dma_start3A_34 = tpu.memref_slice %arg3[%add3A_19, %dma_start3A_33] : memref<424x128xi32, #tpu.memory_space<hbm>> -> memref<1x128xi32, #tpu.memory_space<hbm>>
        %dma_start3A_35 = tpu.memref_squeeze %dma_start3A_34 : memref<1x128xi32, #tpu.memory_space<hbm>> -> memref<128xi32, #tpu.memory_space<hbm>>
        %dma_start3A_36 = arith.constant 0 : i32
        %dma_start3A_37 = tpu.memref_slice %arg3[%add3A_19, %dma_start3A_36] : memref<424x128xi32, #tpu.memory_space<hbm>> -> memref<1x128xi32, #tpu.memory_space<hbm>>
        %dma_start3A_38 = tpu.memref_squeeze %dma_start3A_37 : memref<1x128xi32, #tpu.memory_space<hbm>> -> memref<128xi32, #tpu.memory_space<hbm>>
        tpu.enqueue_dma source(%dma_start3A_38 : memref<128xi32, #tpu.memory_space<hbm>>) target(%arg13 : memref<128xi32, #tpu.memory_space<vmem>>) target_semaphore(%run_scoped3A : memref<!tpu.dma_semaphore, #tpu.memory_space<semaphore_mem>>)
        %dma_wait3A_39 = arith.constant 0 : i32
        %dma_wait3A_40 = tpu.memref_slice %arg3[%add3A_19, %dma_wait3A_39] : memref<424x128xi32, #tpu.memory_space<hbm>> -> memref<1x128xi32, #tpu.memory_space<hbm>>
        %dma_wait3A_41 = tpu.memref_squeeze %dma_wait3A_40 : memref<1x128xi32, #tpu.memory_space<hbm>> -> memref<128xi32, #tpu.memory_space<hbm>>
        %dma_wait3A_42 = arith.constant 0 : i32
        %dma_wait3A_43 = tpu.memref_slice %arg3[%add3A_19, %dma_wait3A_42] : memref<424x128xi32, #tpu.memory_space<hbm>> -> memref<1x128xi32, #tpu.memory_space<hbm>>
        %dma_wait3A_44 = tpu.memref_squeeze %dma_wait3A_43 : memref<1x128xi32, #tpu.memory_space<hbm>> -> memref<128xi32, #tpu.memory_space<hbm>>
        tpu.wait_dma2 semaphore(%run_scoped3A : memref<!tpu.dma_semaphore, #tpu.memory_space<semaphore_mem>>) src(%dma_wait3A_44 : memref<128xi32, #tpu.memory_space<hbm>>) dst(%arg13 : memref<128xi32, #tpu.memory_space<vmem>>)
        tpu.yield
      }) : () -> ()
      %dma_start3A = arith.constant 0 : i32
      %dma_start3A_22 = arith.constant 0 : i32
      %dma_start3A_23 = tpu.memref_slice %arg6[%dma_start3A, %dma_start3A_22] : memref<4240x128xf32, #tpu.memory_space<hbm>> -> memref<4240x128xf32, #tpu.memory_space<hbm>>
      tpu.enqueue_indirect_dma source(%dma_start3A_23 : memref<4240x128xf32, #tpu.memory_space<hbm>>) target(%arg11 : memref<128x128xf32, #tpu.memory_space<vmem>>) offsets(%arg13 : memref<128xi32, #tpu.memory_space<vmem>>) semaphore(%arg14 : memref<!tpu.dma_semaphore, #tpu.memory_space<semaphore_mem>>)
      %dma_wait3A = arith.constant 0 : i32
      %dma_wait3A_24 = arith.constant 0 : i32
      %dma_wait3A_25 = tpu.memref_slice %arg6[%dma_wait3A, %dma_wait3A_24] : memref<4240x128xf32, #tpu.memory_space<hbm>> -> memref<4240x128xf32, #tpu.memory_space<hbm>>
      tpu.wait_indirect_dma semaphore(%arg14 : memref<!tpu.dma_semaphore, #tpu.memory_space<semaphore_mem>>) src(%dma_wait3A_25 : memref<4240x128xf32, #tpu.memory_space<hbm>>) dst(%arg11 : memref<128x128xf32, #tpu.memory_space<vmem>>)
      %scan3A = arith.constant 0 : i32
      %scan3A_26 = arith.constant 0 : i32
      %scan3A_27 = arith.constant 64 : i32
      %scan3A_28 = arith.addi %scan3A_26, %scan3A_27 : i32
      %scan3A_29 = arith.constant 1 : i32
      %scan3A_30 = scf.for %scan3A_33 = %scan3A_26 to %scan3A_28 step %scan3A_29 iter_args(%scan3A_34 = %scan3A) -> (i32)  : i32 {
        %mul3A_35 = arith.constant 16 : i32
        %mul3A_36 = arith.muli %scan3A_33, %mul3A_35 : i32
        %get3A = arith.index_cast %mul3A_36 : i32 to index
        %get3A_37 = tpu.vector_load %arg8[%get3A] {strides = array<i32>} : memref<1024xf32, #tpu.memory_space<vmem>>, vector<16xf32>,
        %get3A_38 = vector.shape_cast %get3A_37 : vector<16xf32> to vector<16xf32>
        %convert_element_type3A = arith.fptosi %get3A_38 : vector<16xf32> to vector<16xi32>
        %convert_element_type3A_39 = arith.sitofp %convert_element_type3A : vector<16xi32> to vector<16xf32>
        %sub3A_40 = arith.subf %get3A_38, %convert_element_type3A_39 : vector<16xf32>
        %add3A_41 = arith.constant 1 : i32
        %add3A_42 = vector.broadcast %add3A_41 : i32 to vector<16xi32>
        %add3A_43 = arith.addi %convert_element_type3A, %add3A_42 : vector<16xi32>
        %broadcast_in_dim3A = arith.constant -1.000000e+30 : f32
        %broadcast_in_dim3A_44 = vector.broadcast %broadcast_in_dim3A : f32 to vector<16xf32>
        %scan3A_45 = arith.constant 0 : i32
        %scan3A_46 = arith.constant 64 : i32
        %scan3A_47 = arith.addi %scan3A_45, %scan3A_46 : i32
        %scan3A_48 = arith.constant 1 : i32
        %scan3A_49 = scf.for %scan3A_67 = %scan3A_45 to %scan3A_47 step %scan3A_48 iter_args(%scan3A_68 = %broadcast_in_dim3A_44) -> (vector<16xf32>)  : i32 {
          %get3A_69 = arith.index_cast %scan3A_67 : i32 to index
          %get3A_70 = arith.index_cast %mul3A_36 : i32 to index
          %get3A_71 = tpu.vector_load %arg10[%get3A_69, %get3A_70] {strides = array<i32>} : memref<64x1024xf32, #tpu.memory_space<vmem>>, vector<1x16xf32>,
          %get3A_72 = vector.shape_cast %get3A_71 : vector<1x16xf32> to vector<16xf32>
          %max3A_73 = arith.maximumf %scan3A_68, %get3A_72 : vector<16xf32>
          scf.yield %max3A_73 : vector<16xf32>
        }
        %scan3A_50 = arith.constant 64 : i32
        %broadcast_in_dim3A_51 = arith.constant 0.000000e+00 : f32
        %broadcast_in_dim3A_52 = vector.broadcast %broadcast_in_dim3A_51 : f32 to vector<16xf32>
        %scan3A_53 = arith.constant 0 : i32
        %scan3A_54 = arith.constant 64 : i32
        %scan3A_55 = arith.addi %scan3A_53, %scan3A_54 : i32
        %scan3A_56 = arith.constant 1 : i32
        %scan3A_57:2 = scf.for %scan3A_67 = %scan3A_53 to %scan3A_55 step %scan3A_56 iter_args(%scan3A_68 = %broadcast_in_dim3A_52, %scan3A_69 = %broadcast_in_dim3A_52) -> (vector<16xf32>, vector<16xf32>)  : i32 {
          %get3A_70 = arith.index_cast %scan3A_67 : i32 to index
          %get3A_71 = arith.index_cast %mul3A_36 : i32 to index
          %get3A_72 = tpu.vector_load %arg10[%get3A_70, %get3A_71] {strides = array<i32>} : memref<64x1024xf32, #tpu.memory_space<vmem>>, vector<1x16xf32>,
          %get3A_73 = vector.shape_cast %get3A_72 : vector<1x16xf32> to vector<16xf32>
          %sub3A_74 = arith.subf %get3A_73, %scan3A_49 : vector<16xf32>
          %exp3A = math.exp %sub3A_74 : vector<16xf32>
          %convert_element_type3A_75 = arith.sitofp %add3A_43 : vector<16xi32> to vector<16xf32>
          %add3A_76 = arith.addf %sub3A_40, %convert_element_type3A_75 : vector<16xf32>
          %add3A_77 = arith.addf %scan3A_68, %exp3A : vector<16xf32>
          %mul3A_78 = arith.mulf %exp3A, %add3A_76 : vector<16xf32>
          %add3A_79 = arith.addf %scan3A_69, %mul3A_78 : vector<16xf32>
          scf.yield %add3A_77, %add3A_79 : vector<16xf32>, vector<16xf32>
        }
        %scan3A_58 = arith.constant 64 : i32
        %div3A = arith.divf %scan3A_57#1, %scan3A_57#0 : vector<16xf32>
        %get3A_59 = arith.index_cast %mul3A_36 : i32 to index
        %get3A_60 = tpu.vector_load %arg9[%get3A_59] {strides = array<i32>} : memref<1024xf32, #tpu.memory_space<vmem>>, vector<16xf32>,
        %get3A_61 = vector.shape_cast %get3A_60 : vector<16xf32> to vector<16xf32>
        %mul3A_62 = arith.mulf %div3A, %get3A_61 : vector<16xf32>
        %swap3A = arith.index_cast %mul3A_36 : i32 to index
        %swap3A_63 = tpu.vector_load %arg12[%swap3A] {strides = array<i32>} : memref<1024xf32, #tpu.memory_space<vmem>>, vector<16xf32>,
        %swap3A_64 = vector.shape_cast %swap3A_63 : vector<16xf32> to vector<16xf32>
        %swap3A_65 = vector.shape_cast %mul3A_62 : vector<16xf32> to vector<16xf32>
        tpu.vector_store %arg12[%swap3A], %swap3A_65 {strides = array<i32>} : memref<1024xf32, #tpu.memory_space<vmem>>, vector<16xf32>,
        %scan3A_66 = arith.constant 0 : i32
        scf.yield %scan3A_66 : i32
      }
      %scan3A_31 = arith.constant 64 : i32
      "tpu.region"() ({
        %run_scoped3A = tpu.sem_alloc : memref<!tpu.dma_semaphore, #tpu.memory_space<semaphore_mem>>
        %dma_start3A_33 = tpu.memref_slice %arg7[%mul3A_21] : memref<434176xf32, #tpu.memory_space<hbm>> -> memref<1024xf32, #tpu.memory_space<hbm>>
        %dma_start3A_34 = tpu.memref_slice %arg7[%mul3A_21] : memref<434176xf32, #tpu.memory_space<hbm>> -> memref<1024xf32, #tpu.memory_space<hbm>>
        tpu.enqueue_dma source(%arg12 : memref<1024xf32, #tpu.memory_space<vmem>>) target(%dma_start3A_34 : memref<1024xf32, #tpu.memory_space<hbm>>) target_semaphore(%run_scoped3A : memref<!tpu.dma_semaphore, #tpu.memory_space<semaphore_mem>>)
        %dma_wait3A_35 = tpu.memref_slice %arg7[%mul3A_21] : memref<434176xf32, #tpu.memory_space<hbm>> -> memref<1024xf32, #tpu.memory_space<hbm>>
        %dma_wait3A_36 = tpu.memref_slice %arg7[%mul3A_21] : memref<434176xf32, #tpu.memory_space<hbm>> -> memref<1024xf32, #tpu.memory_space<hbm>>
        tpu.wait_dma2 semaphore(%run_scoped3A : memref<!tpu.dma_semaphore, #tpu.memory_space<semaphore_mem>>) src(%arg12 : memref<1024xf32, #tpu.memory_space<vmem>>) dst(%dma_wait3A_36 : memref<1024xf32, #tpu.memory_space<hbm>>)
        tpu.yield
      }) : () -> ()
      %while3A_32 = arith.constant 0 : i32
      scf.yield %while3A_32 : i32
    }
    %while3A_15 = arith.constant 1 : i32
    %while3A_16 = scf.for %while3A_17 = %while3A_12 to %while3A_8 step %while3A_15 iter_args(%while3A_18 = %while3A_14) -> (i32)  : i32 {
      %add3A_19 = arith.addi %mul3A_2, %while3A_17 : i32
      %mul3A_20 = arith.constant 1024 : i32
      %mul3A_21 = arith.muli %add3A_19, %mul3A_20 : i32
      "tpu.region"() ({
        %run_scoped3A = tpu.sem_alloc : memref<!tpu.dma_semaphore, #tpu.memory_space<semaphore_mem>>
        %dma_start3A_33 = tpu.memref_slice %arg2[%mul3A_21] : memref<434176xf32, #tpu.memory_space<hbm>> -> memref<1024xf32, #tpu.memory_space<hbm>>
        %dma_start3A_34 = tpu.memref_slice %arg2[%mul3A_21] : memref<434176xf32, #tpu.memory_space<hbm>> -> memref<1024xf32, #tpu.memory_space<hbm>>
        tpu.enqueue_dma source(%dma_start3A_34 : memref<1024xf32, #tpu.memory_space<hbm>>) target(%arg8 : memref<1024xf32, #tpu.memory_space<vmem>>) target_semaphore(%run_scoped3A : memref<!tpu.dma_semaphore, #tpu.memory_space<semaphore_mem>>)
        %dma_wait3A_35 = tpu.memref_slice %arg2[%mul3A_21] : memref<434176xf32, #tpu.memory_space<hbm>> -> memref<1024xf32, #tpu.memory_space<hbm>>
        %dma_wait3A_36 = tpu.memref_slice %arg2[%mul3A_21] : memref<434176xf32, #tpu.memory_space<hbm>> -> memref<1024xf32, #tpu.memory_space<hbm>>
        tpu.wait_dma2 semaphore(%run_scoped3A : memref<!tpu.dma_semaphore, #tpu.memory_space<semaphore_mem>>) src(%dma_wait3A_36 : memref<1024xf32, #tpu.memory_space<hbm>>) dst(%arg8 : memref<1024xf32, #tpu.memory_space<vmem>>)
        tpu.yield
      }) : () -> ()
      "tpu.region"() ({
        %run_scoped3A = tpu.sem_alloc : memref<!tpu.dma_semaphore, #tpu.memory_space<semaphore_mem>>
        %dma_start3A_33 = tpu.memref_slice %arg5[%mul3A_21] : memref<441000xf32, #tpu.memory_space<hbm>> -> memref<1024xf32, #tpu.memory_space<hbm>>
        %dma_start3A_34 = tpu.memref_slice %arg5[%mul3A_21] : memref<441000xf32, #tpu.memory_space<hbm>> -> memref<1024xf32, #tpu.memory_space<hbm>>
        tpu.enqueue_dma source(%dma_start3A_34 : memref<1024xf32, #tpu.memory_space<hbm>>) target(%arg9 : memref<1024xf32, #tpu.memory_space<vmem>>) target_semaphore(%run_scoped3A : memref<!tpu.dma_semaphore, #tpu.memory_space<semaphore_mem>>)
        %dma_wait3A_35 = tpu.memref_slice %arg5[%mul3A_21] : memref<441000xf32, #tpu.memory_space<hbm>> -> memref<1024xf32, #tpu.memory_space<hbm>>
        %dma_wait3A_36 = tpu.memref_slice %arg5[%mul3A_21] : memref<441000xf32, #tpu.memory_space<hbm>> -> memref<1024xf32, #tpu.memory_space<hbm>>
        tpu.wait_dma2 semaphore(%run_scoped3A : memref<!tpu.dma_semaphore, #tpu.memory_space<semaphore_mem>>) src(%dma_wait3A_36 : memref<1024xf32, #tpu.memory_space<hbm>>) dst(%arg9 : memref<1024xf32, #tpu.memory_space<vmem>>)
        tpu.yield
      }) : () -> ()
      "tpu.region"() ({
        %run_scoped3A = tpu.sem_alloc : memref<!tpu.dma_semaphore, #tpu.memory_space<semaphore_mem>>
        %dma_start3A_33 = arith.constant 0 : i32
        %dma_start3A_34 = tpu.memref_slice %arg4[%dma_start3A_33, %mul3A_21] : memref<64x441000xf32, #tpu.memory_space<hbm>> -> memref<64x1024xf32, #tpu.memory_space<hbm>>
        %dma_start3A_35 = arith.constant 0 : i32
        %dma_start3A_36 = tpu.memref_slice %arg4[%dma_start3A_35, %mul3A_21] : memref<64x441000xf32, #tpu.memory_space<hbm>> -> memref<64x1024xf32, #tpu.memory_space<hbm>>
        tpu.enqueue_dma source(%dma_start3A_36 : memref<64x1024xf32, #tpu.memory_space<hbm>>) target(%arg10 : memref<64x1024xf32, #tpu.memory_space<vmem>>) target_semaphore(%run_scoped3A : memref<!tpu.dma_semaphore, #tpu.memory_space<semaphore_mem>>)
        %dma_wait3A_37 = arith.constant 0 : i32
        %dma_wait3A_38 = tpu.memref_slice %arg4[%dma_wait3A_37, %mul3A_21] : memref<64x441000xf32, #tpu.memory_space<hbm>> -> memref<64x1024xf32, #tpu.memory_space<hbm>>
        %dma_wait3A_39 = arith.constant 0 : i32
        %dma_wait3A_40 = tpu.memref_slice %arg4[%dma_wait3A_39, %mul3A_21] : memref<64x441000xf32, #tpu.memory_space<hbm>> -> memref<64x1024xf32, #tpu.memory_space<hbm>>
        tpu.wait_dma2 semaphore(%run_scoped3A : memref<!tpu.dma_semaphore, #tpu.memory_space<semaphore_mem>>) src(%dma_wait3A_40 : memref<64x1024xf32, #tpu.memory_space<hbm>>) dst(%arg10 : memref<64x1024xf32, #tpu.memory_space<vmem>>)
        tpu.yield
      }) : () -> ()
      "tpu.region"() ({
        %run_scoped3A = tpu.sem_alloc : memref<!tpu.dma_semaphore, #tpu.memory_space<semaphore_mem>>
        %dma_start3A_33 = arith.constant 0 : i32
        %dma_start3A_34 = tpu.memref_slice %arg3[%add3A_19, %dma_start3A_33] : memref<424x128xi32, #tpu.memory_space<hbm>> -> memref<1x128xi32, #tpu.memory_space<hbm>>
        %dma_start3A_35 = tpu.memref_squeeze %dma_start3A_34 : memref<1x128xi32, #tpu.memory_space<hbm>> -> memref<128xi32, #tpu.memory_space<hbm>>
        %dma_start3A_36 = arith.constant 0 : i32
        %dma_start3A_37 = tpu.memref_slice %arg3[%add3A_19, %dma_start3A_36] : memref<424x128xi32, #tpu.memory_space<hbm>> -> memref<1x128xi32, #tpu.memory_space<hbm>>
        %dma_start3A_38 = tpu.memref_squeeze %dma_start3A_37 : memref<1x128xi32, #tpu.memory_space<hbm>> -> memref<128xi32, #tpu.memory_space<hbm>>
        tpu.enqueue_dma source(%dma_start3A_38 : memref<128xi32, #tpu.memory_space<hbm>>) target(%arg13 : memref<128xi32, #tpu.memory_space<vmem>>) target_semaphore(%run_scoped3A : memref<!tpu.dma_semaphore, #tpu.memory_space<semaphore_mem>>)
        %dma_wait3A_39 = arith.constant 0 : i32
        %dma_wait3A_40 = tpu.memref_slice %arg3[%add3A_19, %dma_wait3A_39] : memref<424x128xi32, #tpu.memory_space<hbm>> -> memref<1x128xi32, #tpu.memory_space<hbm>>
        %dma_wait3A_41 = tpu.memref_squeeze %dma_wait3A_40 : memref<1x128xi32, #tpu.memory_space<hbm>> -> memref<128xi32, #tpu.memory_space<hbm>>
        %dma_wait3A_42 = arith.constant 0 : i32
        %dma_wait3A_43 = tpu.memref_slice %arg3[%add3A_19, %dma_wait3A_42] : memref<424x128xi32, #tpu.memory_space<hbm>> -> memref<1x128xi32, #tpu.memory_space<hbm>>
        %dma_wait3A_44 = tpu.memref_squeeze %dma_wait3A_43 : memref<1x128xi32, #tpu.memory_space<hbm>> -> memref<128xi32, #tpu.memory_space<hbm>>
        tpu.wait_dma2 semaphore(%run_scoped3A : memref<!tpu.dma_semaphore, #tpu.memory_space<semaphore_mem>>) src(%dma_wait3A_44 : memref<128xi32, #tpu.memory_space<hbm>>) dst(%arg13 : memref<128xi32, #tpu.memory_space<vmem>>)
        tpu.yield
      }) : () -> ()
      %dma_start3A = arith.constant 0 : i32
      %dma_start3A_22 = arith.constant 0 : i32
      %dma_start3A_23 = tpu.memref_slice %arg6[%dma_start3A, %dma_start3A_22] : memref<4240x128xf32, #tpu.memory_space<hbm>> -> memref<4240x128xf32, #tpu.memory_space<hbm>>
      tpu.enqueue_indirect_dma source(%dma_start3A_23 : memref<4240x128xf32, #tpu.memory_space<hbm>>) target(%arg11 : memref<128x128xf32, #tpu.memory_space<vmem>>) offsets(%arg13 : memref<128xi32, #tpu.memory_space<vmem>>) semaphore(%arg14 : memref<!tpu.dma_semaphore, #tpu.memory_space<semaphore_mem>>)
      %dma_wait3A = arith.constant 0 : i32
      %dma_wait3A_24 = arith.constant 0 : i32
      %dma_wait3A_25 = tpu.memref_slice %arg6[%dma_wait3A, %dma_wait3A_24] : memref<4240x128xf32, #tpu.memory_space<hbm>> -> memref<4240x128xf32, #tpu.memory_space<hbm>>
      tpu.wait_indirect_dma semaphore(%arg14 : memref<!tpu.dma_semaphore, #tpu.memory_space<semaphore_mem>>) src(%dma_wait3A_25 : memref<4240x128xf32, #tpu.memory_space<hbm>>) dst(%arg11 : memref<128x128xf32, #tpu.memory_space<vmem>>)
      %scan3A = arith.constant 0 : i32
      %scan3A_26 = arith.constant 0 : i32
      %scan3A_27 = arith.constant 64 : i32
      %scan3A_28 = arith.addi %scan3A_26, %scan3A_27 : i32
      %scan3A_29 = arith.constant 1 : i32
      %scan3A_30 = scf.for %scan3A_33 = %scan3A_26 to %scan3A_28 step %scan3A_29 iter_args(%scan3A_34 = %scan3A) -> (i32)  : i32 {
        %mul3A_35 = arith.constant 16 : i32
        %mul3A_36 = arith.muli %scan3A_33, %mul3A_35 : i32
        %get3A = arith.index_cast %mul3A_36 : i32 to index
        %get3A_37 = tpu.vector_load %arg8[%get3A] {strides = array<i32>} : memref<1024xf32, #tpu.memory_space<vmem>>, vector<16xf32>,
        %get3A_38 = vector.shape_cast %get3A_37 : vector<16xf32> to vector<16xf32>
        %convert_element_type3A = arith.fptosi %get3A_38 : vector<16xf32> to vector<16xi32>
        %convert_element_type3A_39 = arith.sitofp %convert_element_type3A : vector<16xi32> to vector<16xf32>
        %sub3A_40 = arith.subf %get3A_38, %convert_element_type3A_39 : vector<16xf32>
        %add3A_41 = arith.constant 1 : i32
        %add3A_42 = vector.broadcast %add3A_41 : i32 to vector<16xi32>
        %add3A_43 = arith.addi %convert_element_type3A, %add3A_42 : vector<16xi32>
        %broadcast_in_dim3A = arith.constant -1.000000e+30 : f32
        %broadcast_in_dim3A_44 = vector.broadcast %broadcast_in_dim3A : f32 to vector<16xf32>
        %scan3A_45 = arith.constant 0 : i32
        %scan3A_46 = arith.constant 64 : i32
        %scan3A_47 = arith.addi %scan3A_45, %scan3A_46 : i32
        %scan3A_48 = arith.constant 1 : i32
        %scan3A_49 = scf.for %scan3A_67 = %scan3A_45 to %scan3A_47 step %scan3A_48 iter_args(%scan3A_68 = %broadcast_in_dim3A_44) -> (vector<16xf32>)  : i32 {
          %get3A_69 = arith.index_cast %scan3A_67 : i32 to index
          %get3A_70 = arith.index_cast %mul3A_36 : i32 to index
          %get3A_71 = tpu.vector_load %arg10[%get3A_69, %get3A_70] {strides = array<i32>} : memref<64x1024xf32, #tpu.memory_space<vmem>>, vector<1x16xf32>,
          %get3A_72 = vector.shape_cast %get3A_71 : vector<1x16xf32> to vector<16xf32>
          %max3A_73 = arith.maximumf %scan3A_68, %get3A_72 : vector<16xf32>
          scf.yield %max3A_73 : vector<16xf32>
        }
        %scan3A_50 = arith.constant 64 : i32
        %broadcast_in_dim3A_51 = arith.constant 0.000000e+00 : f32
        %broadcast_in_dim3A_52 = vector.broadcast %broadcast_in_dim3A_51 : f32 to vector<16xf32>
        %scan3A_53 = arith.constant 0 : i32
        %scan3A_54 = arith.constant 64 : i32
        %scan3A_55 = arith.addi %scan3A_53, %scan3A_54 : i32
        %scan3A_56 = arith.constant 1 : i32
        %scan3A_57:2 = scf.for %scan3A_67 = %scan3A_53 to %scan3A_55 step %scan3A_56 iter_args(%scan3A_68 = %broadcast_in_dim3A_52, %scan3A_69 = %broadcast_in_dim3A_52) -> (vector<16xf32>, vector<16xf32>)  : i32 {
          %get3A_70 = arith.index_cast %scan3A_67 : i32 to index
          %get3A_71 = arith.index_cast %mul3A_36 : i32 to index
          %get3A_72 = tpu.vector_load %arg10[%get3A_70, %get3A_71] {strides = array<i32>} : memref<64x1024xf32, #tpu.memory_space<vmem>>, vector<1x16xf32>,
          %get3A_73 = vector.shape_cast %get3A_72 : vector<1x16xf32> to vector<16xf32>
          %sub3A_74 = arith.subf %get3A_73, %scan3A_49 : vector<16xf32>
          %exp3A = math.exp %sub3A_74 : vector<16xf32>
          %convert_element_type3A_75 = arith.sitofp %add3A_43 : vector<16xi32> to vector<16xf32>
          %add3A_76 = arith.addf %sub3A_40, %convert_element_type3A_75 : vector<16xf32>
          %add3A_77 = arith.addf %scan3A_68, %exp3A : vector<16xf32>
          %mul3A_78 = arith.mulf %exp3A, %add3A_76 : vector<16xf32>
          %add3A_79 = arith.addf %scan3A_69, %mul3A_78 : vector<16xf32>
          scf.yield %add3A_77, %add3A_79 : vector<16xf32>, vector<16xf32>
        }
        %scan3A_58 = arith.constant 64 : i32
        %div3A = arith.divf %scan3A_57#1, %scan3A_57#0 : vector<16xf32>
        %get3A_59 = arith.index_cast %mul3A_36 : i32 to index
        %get3A_60 = tpu.vector_load %arg9[%get3A_59] {strides = array<i32>} : memref<1024xf32, #tpu.memory_space<vmem>>, vector<16xf32>,
        %get3A_61 = vector.shape_cast %get3A_60 : vector<16xf32> to vector<16xf32>
        %mul3A_62 = arith.mulf %div3A, %get3A_61 : vector<16xf32>
        %swap3A = arith.index_cast %mul3A_36 : i32 to index
        %swap3A_63 = tpu.vector_load %arg12[%swap3A] {strides = array<i32>} : memref<1024xf32, #tpu.memory_space<vmem>>, vector<16xf32>,
        %swap3A_64 = vector.shape_cast %swap3A_63 : vector<16xf32> to vector<16xf32>
        %swap3A_65 = vector.shape_cast %mul3A_62 : vector<16xf32> to vector<16xf32>
        tpu.vector_store %arg12[%swap3A], %swap3A_65 {strides = array<i32>} : memref<1024xf32, #tpu.memory_space<vmem>>, vector<16xf32>,
        %scan3A_66 = arith.constant 0 : i32
        scf.yield %scan3A_66 : i32
      }
      %scan3A_31 = arith.constant 64 : i32
      "tpu.region"() ({
        %run_scoped3A = tpu.sem_alloc : memref<!tpu.dma_semaphore, #tpu.memory_space<semaphore_mem>>
        %dma_start3A_33 = tpu.memref_slice %arg7[%mul3A_21] : memref<434176xf32, #tpu.memory_space<hbm>> -> memref<1024xf32, #tpu.memory_space<hbm>>
        %dma_start3A_34 = tpu.memref_slice %arg7[%mul3A_21] : memref<434176xf32, #tpu.memory_space<hbm>> -> memref<1024xf32, #tpu.memory_space<hbm>>
        tpu.enqueue_dma source(%arg12 : memref<1024xf32, #tpu.memory_space<vmem>>) target(%dma_start3A_34 : memref<1024xf32, #tpu.memory_space<hbm>>) target_semaphore(%run_scoped3A : memref<!tpu.dma_semaphore, #tpu.memory_space<semaphore_mem>>)
        %dma_wait3A_35 = tpu.memref_slice %arg7[%mul3A_21] : memref<434176xf32, #tpu.memory_space<hbm>> -> memref<1024xf32, #tpu.memory_space<hbm>>
        %dma_wait3A_36 = tpu.memref_slice %arg7[%mul3A_21] : memref<434176xf32, #tpu.memory_space<hbm>> -> memref<1024xf32, #tpu.memory_space<hbm>>
        tpu.wait_dma2 semaphore(%run_scoped3A : memref<!tpu.dma_semaphore, #tpu.memory_space<semaphore_mem>>) src(%arg12 : memref<1024xf32, #tpu.memory_space<vmem>>) dst(%dma_wait3A_36 : memref<1024xf32, #tpu.memory_space<hbm>>)
        tpu.yield
      }) : () -> ()
      %while3A_32 = arith.constant 0 : i32
      scf.yield %while3A_32 : i32
    }
    return
  }
}

module attributes {stable_mosaic.version = 14 : i64} {
  func.func @_cumsum_kernel(%arg0: memref<8x57344xf32, #tpu.memory_space<vmem>>, %arg1: memref<8x57344xf32, #tpu.memory_space<vmem>>) attributes {dimension_semantics = [], scalar_prefetch = 0 : i64, scratch_operands = 0 : i64, tpu.core_type = #tpu.core_type<tc>} {
    %get3A = arith.constant 0 : index
    %get3A_0 = arith.constant 0 : index
    %get3A_1 = vector.load %arg0[%get3A, %get3A_0] : memref<8x57344xf32, #tpu.memory_space<vmem>>, vector<1x1xf32>
    %get3A_2 = vector.extract %get3A_1[0, 0] : f32 from vector<1x1xf32>
    %iota3A = tpu.iota {dimensions = array<i32: 1>} : vector<8x1024xi32>
    %iota3A_3 = tpu.iota {dimensions = array<i32: 0>} : vector<8x1xi32>
    %broadcast_in_dim3A = arith.constant 0.000000e+00 : f32
    %broadcast_in_dim3A_4 = vector.broadcast %broadcast_in_dim3A : f32 to vector<8x1xf32>
    %scan3A = arith.constant 0 : i32
    %scan3A_5 = arith.constant 56 : i32
    %scan3A_6 = arith.addi %scan3A, %scan3A_5 : i32
    %scan3A_7 = arith.constant 1 : i32
    %scan3A_8:2 = scf.for %scan3A_99 = %scan3A to %scan3A_6 step %scan3A_7 iter_args(%scan3A_100 = %broadcast_in_dim3A_4, %scan3A_101 = %broadcast_in_dim3A_4) -> (vector<8x1xf32>, vector<8x1xf32>)  : i32 {
      %mul3A = arith.constant 1024 : i32
      %mul3A_102 = arith.muli %scan3A_99, %mul3A : i32
      %get3A_103 = arith.constant 0 : index
      %get3A_104 = arith.index_cast %mul3A_102 : i32 to index
      %get3A_105 = vector.load %arg0[%get3A_103, %get3A_104] : memref<8x57344xf32, #tpu.memory_space<vmem>>, vector<8x1024xf32>
      %ge3A_106 = arith.constant 1 : i32
      %ge3A_107 = vector.broadcast %ge3A_106 : i32 to vector<8x1024xi32>
      %ge3A_108 = arith.cmpi sge, %iota3A, %ge3A_107 : vector<8x1024xi32>
      %roll3A_109 = arith.constant 1 : i32
      %roll3A_110 = tpu.dynamic_rotate %get3A_105 by %roll3A_109 dim 1 : vector<8x1024xf32>, i32 -> vector<8x1024xf32>
      %jit3A_111 = arith.constant 0.000000e+00 : f32
      %broadcast_in_dim3A_112 = vector.broadcast %jit3A_111 : f32 to vector<8x1024xf32>
      %select_n3A_113 = arith.select %ge3A_108, %roll3A_110, %broadcast_in_dim3A_112 : vector<8x1024xi1>, vector<8x1024xf32>
      %add3A_114 = arith.addf %get3A_105, %select_n3A_113 : vector<8x1024xf32>
      %ge3A_115 = arith.constant 2 : i32
      %ge3A_116 = vector.broadcast %ge3A_115 : i32 to vector<8x1024xi32>
      %ge3A_117 = arith.cmpi sge, %iota3A, %ge3A_116 : vector<8x1024xi32>
      %roll3A_118 = arith.constant 2 : i32
      %roll3A_119 = tpu.dynamic_rotate %add3A_114 by %roll3A_118 dim 1 : vector<8x1024xf32>, i32 -> vector<8x1024xf32>
      %jit3A_120 = arith.constant 0.000000e+00 : f32
      %broadcast_in_dim3A_121 = vector.broadcast %jit3A_120 : f32 to vector<8x1024xf32>
      %select_n3A_122 = arith.select %ge3A_117, %roll3A_119, %broadcast_in_dim3A_121 : vector<8x1024xi1>, vector<8x1024xf32>
      %add3A_123 = arith.addf %add3A_114, %select_n3A_122 : vector<8x1024xf32>
      %ge3A_124 = arith.constant 4 : i32
      %ge3A_125 = vector.broadcast %ge3A_124 : i32 to vector<8x1024xi32>
      %ge3A_126 = arith.cmpi sge, %iota3A, %ge3A_125 : vector<8x1024xi32>
      %roll3A_127 = arith.constant 4 : i32
      %roll3A_128 = tpu.dynamic_rotate %add3A_123 by %roll3A_127 dim 1 : vector<8x1024xf32>, i32 -> vector<8x1024xf32>
      %jit3A_129 = arith.constant 0.000000e+00 : f32
      %broadcast_in_dim3A_130 = vector.broadcast %jit3A_129 : f32 to vector<8x1024xf32>
      %select_n3A_131 = arith.select %ge3A_126, %roll3A_128, %broadcast_in_dim3A_130 : vector<8x1024xi1>, vector<8x1024xf32>
      %add3A_132 = arith.addf %add3A_123, %select_n3A_131 : vector<8x1024xf32>
      %ge3A_133 = arith.constant 8 : i32
      %ge3A_134 = vector.broadcast %ge3A_133 : i32 to vector<8x1024xi32>
      %ge3A_135 = arith.cmpi sge, %iota3A, %ge3A_134 : vector<8x1024xi32>
      %roll3A_136 = arith.constant 8 : i32
      %roll3A_137 = tpu.dynamic_rotate %add3A_132 by %roll3A_136 dim 1 : vector<8x1024xf32>, i32 -> vector<8x1024xf32>
      %jit3A_138 = arith.constant 0.000000e+00 : f32
      %broadcast_in_dim3A_139 = vector.broadcast %jit3A_138 : f32 to vector<8x1024xf32>
      %select_n3A_140 = arith.select %ge3A_135, %roll3A_137, %broadcast_in_dim3A_139 : vector<8x1024xi1>, vector<8x1024xf32>
      %add3A_141 = arith.addf %add3A_132, %select_n3A_140 : vector<8x1024xf32>
      %ge3A_142 = arith.constant 16 : i32
      %ge3A_143 = vector.broadcast %ge3A_142 : i32 to vector<8x1024xi32>
      %ge3A_144 = arith.cmpi sge, %iota3A, %ge3A_143 : vector<8x1024xi32>
      %roll3A_145 = arith.constant 16 : i32
      %roll3A_146 = tpu.dynamic_rotate %add3A_141 by %roll3A_145 dim 1 : vector<8x1024xf32>, i32 -> vector<8x1024xf32>
      %jit3A_147 = arith.constant 0.000000e+00 : f32
      %broadcast_in_dim3A_148 = vector.broadcast %jit3A_147 : f32 to vector<8x1024xf32>
      %select_n3A_149 = arith.select %ge3A_144, %roll3A_146, %broadcast_in_dim3A_148 : vector<8x1024xi1>, vector<8x1024xf32>
      %add3A_150 = arith.addf %add3A_141, %select_n3A_149 : vector<8x1024xf32>
      %ge3A_151 = arith.constant 32 : i32
      %ge3A_152 = vector.broadcast %ge3A_151 : i32 to vector<8x1024xi32>
      %ge3A_153 = arith.cmpi sge, %iota3A, %ge3A_152 : vector<8x1024xi32>
      %roll3A_154 = arith.constant 32 : i32
      %roll3A_155 = tpu.dynamic_rotate %add3A_150 by %roll3A_154 dim 1 : vector<8x1024xf32>, i32 -> vector<8x1024xf32>
      %jit3A_156 = arith.constant 0.000000e+00 : f32
      %broadcast_in_dim3A_157 = vector.broadcast %jit3A_156 : f32 to vector<8x1024xf32>
      %select_n3A_158 = arith.select %ge3A_153, %roll3A_155, %broadcast_in_dim3A_157 : vector<8x1024xi1>, vector<8x1024xf32>
      %add3A_159 = arith.addf %add3A_150, %select_n3A_158 : vector<8x1024xf32>
      %ge3A_160 = arith.constant 64 : i32
      %ge3A_161 = vector.broadcast %ge3A_160 : i32 to vector<8x1024xi32>
      %ge3A_162 = arith.cmpi sge, %iota3A, %ge3A_161 : vector<8x1024xi32>
      %roll3A_163 = arith.constant 64 : i32
      %roll3A_164 = tpu.dynamic_rotate %add3A_159 by %roll3A_163 dim 1 : vector<8x1024xf32>, i32 -> vector<8x1024xf32>
      %jit3A_165 = arith.constant 0.000000e+00 : f32
      %broadcast_in_dim3A_166 = vector.broadcast %jit3A_165 : f32 to vector<8x1024xf32>
      %select_n3A_167 = arith.select %ge3A_162, %roll3A_164, %broadcast_in_dim3A_166 : vector<8x1024xi1>, vector<8x1024xf32>
      %add3A_168 = arith.addf %add3A_159, %select_n3A_167 : vector<8x1024xf32>
      %ge3A_169 = arith.constant 128 : i32
      %ge3A_170 = vector.broadcast %ge3A_169 : i32 to vector<8x1024xi32>
      %ge3A_171 = arith.cmpi sge, %iota3A, %ge3A_170 : vector<8x1024xi32>
      %roll3A_172 = arith.constant 128 : i32
      %roll3A_173 = tpu.dynamic_rotate %add3A_168 by %roll3A_172 dim 1 : vector<8x1024xf32>, i32 -> vector<8x1024xf32>
      %jit3A_174 = arith.constant 0.000000e+00 : f32
      %broadcast_in_dim3A_175 = vector.broadcast %jit3A_174 : f32 to vector<8x1024xf32>
      %select_n3A_176 = arith.select %ge3A_171, %roll3A_173, %broadcast_in_dim3A_175 : vector<8x1024xi1>, vector<8x1024xf32>
      %add3A_177 = arith.addf %add3A_168, %select_n3A_176 : vector<8x1024xf32>
      %ge3A_178 = arith.constant 256 : i32
      %ge3A_179 = vector.broadcast %ge3A_178 : i32 to vector<8x1024xi32>
      %ge3A_180 = arith.cmpi sge, %iota3A, %ge3A_179 : vector<8x1024xi32>
      %roll3A_181 = arith.constant 256 : i32
      %roll3A_182 = tpu.dynamic_rotate %add3A_177 by %roll3A_181 dim 1 : vector<8x1024xf32>, i32 -> vector<8x1024xf32>
      %jit3A_183 = arith.constant 0.000000e+00 : f32
      %broadcast_in_dim3A_184 = vector.broadcast %jit3A_183 : f32 to vector<8x1024xf32>
      %select_n3A_185 = arith.select %ge3A_180, %roll3A_182, %broadcast_in_dim3A_184 : vector<8x1024xi1>, vector<8x1024xf32>
      %add3A_186 = arith.addf %add3A_177, %select_n3A_185 : vector<8x1024xf32>
      %ge3A_187 = arith.constant 512 : i32
      %ge3A_188 = vector.broadcast %ge3A_187 : i32 to vector<8x1024xi32>
      %ge3A_189 = arith.cmpi sge, %iota3A, %ge3A_188 : vector<8x1024xi32>
      %roll3A_190 = arith.constant 512 : i32
      %roll3A_191 = tpu.dynamic_rotate %add3A_186 by %roll3A_190 dim 1 : vector<8x1024xf32>, i32 -> vector<8x1024xf32>
      %jit3A_192 = arith.constant 0.000000e+00 : f32
      %broadcast_in_dim3A_193 = vector.broadcast %jit3A_192 : f32 to vector<8x1024xf32>
      %select_n3A_194 = arith.select %ge3A_189, %roll3A_191, %broadcast_in_dim3A_193 : vector<8x1024xi1>, vector<8x1024xf32>
      %add3A_195 = arith.addf %add3A_186, %select_n3A_194 : vector<8x1024xf32>
      %sub3A_196 = vector.broadcast %scan3A_101 : vector<8x1xf32> to vector<8x1024xf32>
      %sub3A_197 = arith.subf %add3A_195, %sub3A_196 : vector<8x1024xf32>
      %add3A_198 = vector.broadcast %scan3A_100 : vector<8x1xf32> to vector<8x1024xf32>
      %add3A_199 = arith.addf %add3A_198, %sub3A_197 : vector<8x1024xf32>
      %mul3A_200 = arith.constant 1024 : i32
      %mul3A_201 = arith.muli %scan3A_99, %mul3A_200 : i32
      %swap3A = arith.constant 0 : index
      %swap3A_202 = arith.index_cast %mul3A_201 : i32 to index
      %swap3A_203 = vector.load %arg1[%swap3A, %swap3A_202] : memref<8x57344xf32, #tpu.memory_space<vmem>>, vector<8x1024xf32>
      tpu.vector_store %arg1[%swap3A, %swap3A_202], %add3A_199 {strides = array<i32>} : memref<8x57344xf32, #tpu.memory_space<vmem>>, vector<8x1024xf32>,
      %reduce_sum3A = arith.constant dense<0.000000e+00> : vector<8xf32>
      %reduce_sum3A_204 = vector.multi_reduction <add>, %get3A_105, %reduce_sum3A [1] : vector<8x1024xf32> to vector<8xf32>
      %broadcast_in_dim3A_205 = vector.shape_cast %reduce_sum3A_204 : vector<8xf32> to vector<8x1xf32>
      %sub3A_206 = arith.subf %broadcast_in_dim3A_205, %scan3A_101 : vector<8x1xf32>
      %add3A_207 = arith.addf %scan3A_100, %sub3A_206 : vector<8x1xf32>
      %sub3A_208 = arith.subf %add3A_207, %scan3A_100 : vector<8x1xf32>
      %sub3A_209 = arith.subf %sub3A_208, %sub3A_206 : vector<8x1xf32>
      scf.yield %add3A_207, %sub3A_209 : vector<8x1xf32>, vector<8x1xf32>
    }
    %scan3A_9 = arith.constant 56 : i32
    %ge3A = arith.constant 1 : i32
    %ge3A_10 = vector.broadcast %ge3A : i32 to vector<8x1xi32>
    %ge3A_11 = arith.cmpi sge, %iota3A_3, %ge3A_10 : vector<8x1xi32>
    %roll3A = arith.constant 1 : i32
    %roll3A_12 = tpu.dynamic_rotate %scan3A_8#0 by %roll3A dim 0 : vector<8x1xf32>, i32 -> vector<8x1xf32>
    %jit3A = arith.constant 0.000000e+00 : f32
    %broadcast_in_dim3A_13 = vector.broadcast %jit3A : f32 to vector<8x1xf32>
    %select_n3A = arith.select %ge3A_11, %roll3A_12, %broadcast_in_dim3A_13 : vector<8x1xi1>, vector<8x1xf32>
    %neg3A = arith.constant 0.000000e+00 : f32
    %neg3A_14 = vector.broadcast %neg3A : f32 to vector<8x1xf32>
    %neg3A_15 = arith.subf %neg3A_14, %scan3A_8#1 : vector<8x1xf32>
    %ge3A_16 = arith.constant 1 : i32
    %ge3A_17 = vector.broadcast %ge3A_16 : i32 to vector<8x1xi32>
    %ge3A_18 = arith.cmpi sge, %iota3A_3, %ge3A_17 : vector<8x1xi32>
    %roll3A_19 = arith.constant 1 : i32
    %roll3A_20 = tpu.dynamic_rotate %neg3A_15 by %roll3A_19 dim 0 : vector<8x1xf32>, i32 -> vector<8x1xf32>
    %jit3A_21 = arith.constant 0.000000e+00 : f32
    %broadcast_in_dim3A_22 = vector.broadcast %jit3A_21 : f32 to vector<8x1xf32>
    %select_n3A_23 = arith.select %ge3A_18, %roll3A_20, %broadcast_in_dim3A_22 : vector<8x1xi1>, vector<8x1xf32>
    %ge3A_24 = arith.constant 1 : i32
    %ge3A_25 = vector.broadcast %ge3A_24 : i32 to vector<8x1xi32>
    %ge3A_26 = arith.cmpi sge, %iota3A_3, %ge3A_25 : vector<8x1xi32>
    %roll3A_27 = arith.constant 1 : i32
    %roll3A_28 = tpu.dynamic_rotate %select_n3A by %roll3A_27 dim 0 : vector<8x1xf32>, i32 -> vector<8x1xf32>
    %jit3A_29 = arith.constant 0.000000e+00 : f32
    %broadcast_in_dim3A_30 = vector.broadcast %jit3A_29 : f32 to vector<8x1xf32>
    %select_n3A_31 = arith.select %ge3A_26, %roll3A_28, %broadcast_in_dim3A_30 : vector<8x1xi1>, vector<8x1xf32>
    %ge3A_32 = arith.constant 1 : i32
    %ge3A_33 = vector.broadcast %ge3A_32 : i32 to vector<8x1xi32>
    %ge3A_34 = arith.cmpi sge, %iota3A_3, %ge3A_33 : vector<8x1xi32>
    %roll3A_35 = arith.constant 1 : i32
    %roll3A_36 = tpu.dynamic_rotate %select_n3A_23 by %roll3A_35 dim 0 : vector<8x1xf32>, i32 -> vector<8x1xf32>
    %jit3A_37 = arith.constant 0.000000e+00 : f32
    %broadcast_in_dim3A_38 = vector.broadcast %jit3A_37 : f32 to vector<8x1xf32>
    %select_n3A_39 = arith.select %ge3A_34, %roll3A_36, %broadcast_in_dim3A_38 : vector<8x1xi1>, vector<8x1xf32>
    %add3A = arith.addf %select_n3A, %select_n3A_31 : vector<8x1xf32>
    %sub3A = arith.subf %add3A, %select_n3A : vector<8x1xf32>
    %sub3A_40 = arith.subf %add3A, %sub3A : vector<8x1xf32>
    %sub3A_41 = arith.subf %select_n3A, %sub3A_40 : vector<8x1xf32>
    %sub3A_42 = arith.subf %select_n3A_31, %sub3A : vector<8x1xf32>
    %add3A_43 = arith.addf %sub3A_41, %sub3A_42 : vector<8x1xf32>
    %add3A_44 = arith.addf %select_n3A_39, %add3A_43 : vector<8x1xf32>
    %add3A_45 = arith.addf %select_n3A_23, %add3A_44 : vector<8x1xf32>
    %ge3A_46 = arith.constant 2 : i32
    %ge3A_47 = vector.broadcast %ge3A_46 : i32 to vector<8x1xi32>
    %ge3A_48 = arith.cmpi sge, %iota3A_3, %ge3A_47 : vector<8x1xi32>
    %roll3A_49 = arith.constant 2 : i32
    %roll3A_50 = tpu.dynamic_rotate %add3A by %roll3A_49 dim 0 : vector<8x1xf32>, i32 -> vector<8x1xf32>
    %jit3A_51 = arith.constant 0.000000e+00 : f32
    %broadcast_in_dim3A_52 = vector.broadcast %jit3A_51 : f32 to vector<8x1xf32>
    %select_n3A_53 = arith.select %ge3A_48, %roll3A_50, %broadcast_in_dim3A_52 : vector<8x1xi1>, vector<8x1xf32>
    %ge3A_54 = arith.constant 2 : i32
    %ge3A_55 = vector.broadcast %ge3A_54 : i32 to vector<8x1xi32>
    %ge3A_56 = arith.cmpi sge, %iota3A_3, %ge3A_55 : vector<8x1xi32>
    %roll3A_57 = arith.constant 2 : i32
    %roll3A_58 = tpu.dynamic_rotate %add3A_45 by %roll3A_57 dim 0 : vector<8x1xf32>, i32 -> vector<8x1xf32>
    %jit3A_59 = arith.constant 0.000000e+00 : f32
    %broadcast_in_dim3A_60 = vector.broadcast %jit3A_59 : f32 to vector<8x1xf32>
    %select_n3A_61 = arith.select %ge3A_56, %roll3A_58, %broadcast_in_dim3A_60 : vector<8x1xi1>, vector<8x1xf32>
    %add3A_62 = arith.addf %add3A, %select_n3A_53 : vector<8x1xf32>
    %sub3A_63 = arith.subf %add3A_62, %add3A : vector<8x1xf32>
    %sub3A_64 = arith.subf %add3A_62, %sub3A_63 : vector<8x1xf32>
    %sub3A_65 = arith.subf %add3A, %sub3A_64 : vector<8x1xf32>
    %sub3A_66 = arith.subf %select_n3A_53, %sub3A_63 : vector<8x1xf32>
    %add3A_67 = arith.addf %sub3A_65, %sub3A_66 : vector<8x1xf32>
    %add3A_68 = arith.addf %select_n3A_61, %add3A_67 : vector<8x1xf32>
    %add3A_69 = arith.addf %add3A_45, %add3A_68 : vector<8x1xf32>
    %ge3A_70 = arith.constant 4 : i32
    %ge3A_71 = vector.broadcast %ge3A_70 : i32 to vector<8x1xi32>
    %ge3A_72 = arith.cmpi sge, %iota3A_3, %ge3A_71 : vector<8x1xi32>
    %roll3A_73 = arith.constant 4 : i32
    %roll3A_74 = tpu.dynamic_rotate %add3A_62 by %roll3A_73 dim 0 : vector<8x1xf32>, i32 -> vector<8x1xf32>
    %jit3A_75 = arith.constant 0.000000e+00 : f32
    %broadcast_in_dim3A_76 = vector.broadcast %jit3A_75 : f32 to vector<8x1xf32>
    %select_n3A_77 = arith.select %ge3A_72, %roll3A_74, %broadcast_in_dim3A_76 : vector<8x1xi1>, vector<8x1xf32>
    %ge3A_78 = arith.constant 4 : i32
    %ge3A_79 = vector.broadcast %ge3A_78 : i32 to vector<8x1xi32>
    %ge3A_80 = arith.cmpi sge, %iota3A_3, %ge3A_79 : vector<8x1xi32>
    %roll3A_81 = arith.constant 4 : i32
    %roll3A_82 = tpu.dynamic_rotate %add3A_69 by %roll3A_81 dim 0 : vector<8x1xf32>, i32 -> vector<8x1xf32>
    %jit3A_83 = arith.constant 0.000000e+00 : f32
    %broadcast_in_dim3A_84 = vector.broadcast %jit3A_83 : f32 to vector<8x1xf32>
    %select_n3A_85 = arith.select %ge3A_80, %roll3A_82, %broadcast_in_dim3A_84 : vector<8x1xi1>, vector<8x1xf32>
    %add3A_86 = arith.addf %add3A_62, %select_n3A_77 : vector<8x1xf32>
    %sub3A_87 = arith.subf %add3A_86, %add3A_62 : vector<8x1xf32>
    %sub3A_88 = arith.subf %add3A_86, %sub3A_87 : vector<8x1xf32>
    %sub3A_89 = arith.subf %add3A_62, %sub3A_88 : vector<8x1xf32>
    %sub3A_90 = arith.subf %select_n3A_77, %sub3A_87 : vector<8x1xf32>
    %add3A_91 = arith.addf %sub3A_89, %sub3A_90 : vector<8x1xf32>
    %add3A_92 = arith.addf %select_n3A_85, %add3A_91 : vector<8x1xf32>
    %add3A_93 = arith.addf %add3A_69, %add3A_92 : vector<8x1xf32>
    %scan3A_94 = arith.constant 0 : i32
    %scan3A_95 = arith.constant 56 : i32
    %scan3A_96 = arith.addi %scan3A_94, %scan3A_95 : i32
    %scan3A_97 = arith.constant 1 : i32
    scf.for %scan3A_99 = %scan3A_94 to %scan3A_96 step %scan3A_97  : i32 {
      %mul3A = arith.constant 1024 : i32
      %mul3A_100 = arith.muli %scan3A_99, %mul3A : i32
      %get3A_101 = arith.constant 0 : index
      %get3A_102 = arith.index_cast %mul3A_100 : i32 to index
      %get3A_103 = vector.load %arg1[%get3A_101, %get3A_102] : memref<8x57344xf32, #tpu.memory_space<vmem>>, vector<8x1024xf32>
      %add3A_104 = vector.broadcast %add3A_93 : vector<8x1xf32> to vector<8x1024xf32>
      %add3A_105 = arith.addf %get3A_103, %add3A_104 : vector<8x1024xf32>
      %add3A_106 = vector.broadcast %add3A_86 : vector<8x1xf32> to vector<8x1024xf32>
      %add3A_107 = arith.addf %add3A_106, %add3A_105 : vector<8x1024xf32>
      %sub3A_108 = vector.broadcast %get3A_2 : f32 to vector<8x1024xf32>
      %sub3A_109 = arith.subf %add3A_107, %sub3A_108 : vector<8x1024xf32>
      %mul3A_110 = arith.constant 2.44081035E-4 : f32
      %mul3A_111 = vector.broadcast %mul3A_110 : f32 to vector<8x1024xf32>
      %mul3A_112 = arith.mulf %sub3A_109, %mul3A_111 : vector<8x1024xf32>
      %floor3A = math.floor %mul3A_112 : vector<8x1024xf32>
      %mul3A_113 = arith.constant 4.097000e+03 : f32
      %mul3A_114 = vector.broadcast %mul3A_113 : f32 to vector<8x1024xf32>
      %mul3A_115 = arith.mulf %floor3A, %mul3A_114 : vector<8x1024xf32>
      %sub3A_116 = arith.subf %sub3A_109, %mul3A_115 : vector<8x1024xf32>
      %lt3A = arith.constant 0.000000e+00 : f32
      %lt3A_117 = vector.broadcast %lt3A : f32 to vector<8x1024xf32>
      %lt3A_118 = arith.cmpf olt, %sub3A_116, %lt3A_117 : vector<8x1024xf32>
      %add3A_119 = arith.constant 4.097000e+03 : f32
      %add3A_120 = vector.broadcast %add3A_119 : f32 to vector<8x1024xf32>
      %add3A_121 = arith.addf %sub3A_116, %add3A_120 : vector<8x1024xf32>
      %select_n3A_122 = arith.select %lt3A_118, %add3A_121, %sub3A_116 : vector<8x1024xi1>, vector<8x1024xf32>
      %ge3A_123 = arith.constant 4.097000e+03 : f32
      %ge3A_124 = vector.broadcast %ge3A_123 : f32 to vector<8x1024xf32>
      %ge3A_125 = arith.cmpf oge, %select_n3A_122, %ge3A_124 : vector<8x1024xf32>
      %sub3A_126 = arith.constant 4.097000e+03 : f32
      %sub3A_127 = vector.broadcast %sub3A_126 : f32 to vector<8x1024xf32>
      %sub3A_128 = arith.subf %select_n3A_122, %sub3A_127 : vector<8x1024xf32>
      %select_n3A_129 = arith.select %ge3A_125, %sub3A_128, %select_n3A_122 : vector<8x1024xi1>, vector<8x1024xf32>
      %mul3A_130 = arith.constant 1024 : i32
      %mul3A_131 = arith.muli %scan3A_99, %mul3A_130 : i32
      %swap3A = arith.constant 0 : index
      %swap3A_132 = arith.index_cast %mul3A_131 : i32 to index
      %swap3A_133 = vector.load %arg1[%swap3A, %swap3A_132] : memref<8x57344xf32, #tpu.memory_space<vmem>>, vector<8x1024xf32>
      tpu.vector_store %arg1[%swap3A, %swap3A_132], %select_n3A_129 {strides = array<i32>} : memref<8x57344xf32, #tpu.memory_space<vmem>>, vector<8x1024xf32>,
    }
    %scan3A_98 = arith.constant 56 : i32
    return
  }
}

module attributes {stable_mosaic.version = 14 : i64} {
  func.func @_tc_mix_kernel(%arg0: i32, %arg1: memref<1x1x8192xf32, #tpu.memory_space<vmem>>, %arg2: memref<1x8192xf32, #tpu.memory_space<vmem>>, %arg3: memref<64x8192xf32, #tpu.memory_space<vmem>>, %arg4: memref<4240x192xbf16, #tpu.memory_space<vmem>>, %arg5: memref<1x8192xf32, #tpu.memory_space<vmem>>) attributes {dimension_semantics = [#tpu.dimension_semantics<arbitrary>], iteration_bounds = array<i64: 1>, scalar_prefetch = 0 : i64, scratch_operands = 0 : i64, tpu.core_type = #tpu.core_type<tc>, window_params = [{transform_indices = @transform_0, window_bounds = array<i64: 1, 1, 8192>}, {transform_indices = @transform_1, window_bounds = array<i64: 1, 8192>}, {transform_indices = @transform_2, window_bounds = array<i64: 64, 8192>}, {pipeline_mode = #tpu.pipeline_mode<synchronous>, transform_indices = @transform_3, window_bounds = array<i64: 4240, 192>}, {transform_indices = @transform_4, window_bounds = array<i64: 1, 8192>}]} {
    %iota3A = tpu.iota {dimensions = array<i32: 0>} : vector<128x1024xi32>
    %get3A = arith.constant 0 : index
    %get3A_0 = arith.constant 0 : index
    %get3A_1 = arith.constant 0 : index
    %get3A_2 = vector.load %arg1[%get3A, %get3A_0, %get3A_1] : memref<1x1x8192xf32, #tpu.memory_space<vmem>>, vector<1x1x1024xf32>
    %get3A_3 = vector.shape_cast %get3A_2 : vector<1x1x1024xf32> to vector<1x1024xf32>
    %get3A_4 = arith.constant 0 : index
    %get3A_5 = arith.constant 0 : index
    %get3A_6 = arith.constant 0 : index
    %get3A_7 = vector.load %arg1[%get3A_4, %get3A_5, %get3A_6] : memref<1x1x8192xf32, #tpu.memory_space<vmem>>, vector<1x1x1xf32>
    %get3A_8 = vector.extract %get3A_7[0, 0, 0] : f32 from vector<1x1x1xf32>
    %floor3A = math.floor %get3A_8 : f32
    %convert_element_type3A = arith.fptosi %floor3A : f32 to i32
    %jit3A = arith.constant 16 : i32
    %div3A = arith.divsi %convert_element_type3A, %jit3A : i32
    %sign3A = arith.constant 0 : i32
    %sign3A_9 = arith.cmpi sgt, %convert_element_type3A, %sign3A : i32
    %sign3A_10 = arith.extui %sign3A_9 : i1 to i32
    %sign3A_11 = arith.constant 0 : i32
    %sign3A_12 = arith.cmpi slt, %convert_element_type3A, %sign3A_11 : i32
    %sign3A_13 = arith.extui %sign3A_12 : i1 to i32
    %sign3A_14 = arith.subi %sign3A_10, %sign3A_13 : i32
    %sign3A_15 = arith.constant 0 : i32
    %sign3A_16 = arith.cmpi sgt, %jit3A, %sign3A_15 : i32
    %sign3A_17 = arith.extui %sign3A_16 : i1 to i32
    %sign3A_18 = arith.constant 0 : i32
    %sign3A_19 = arith.cmpi slt, %jit3A, %sign3A_18 : i32
    %sign3A_20 = arith.extui %sign3A_19 : i1 to i32
    %sign3A_21 = arith.subi %sign3A_17, %sign3A_20 : i32
    %ne3A = arith.cmpi ne, %sign3A_14, %sign3A_21 : i32
    %rem3A = arith.remsi %convert_element_type3A, %jit3A : i32
    %ne3A_22 = arith.constant 0 : i32
    %ne3A_23 = arith.cmpi ne, %rem3A, %ne3A_22 : i32
    %and3A = arith.andi %ne3A, %ne3A_23 : i1
    %sub3A = arith.constant 1 : i32
    %sub3A_24 = arith.subi %div3A, %sub3A : i32
    %select_n3A = arith.select %and3A, %sub3A_24, %div3A : i32
    %mul3A = arith.constant 16 : i32
    %mul3A_25 = arith.muli %select_n3A, %mul3A : i32
    %convert_element_type3A_26 = arith.sitofp %mul3A_25 : i32 to f32
    %sub3A_27 = vector.broadcast %convert_element_type3A_26 : f32 to vector<1x1024xf32>
    %sub3A_28 = arith.subf %get3A_3, %sub3A_27 : vector<1x1024xf32>
    %lt3A = arith.constant -1.024000e+03 : f32
    %lt3A_29 = vector.broadcast %lt3A : f32 to vector<1x1024xf32>
    %lt3A_30 = arith.cmpf olt, %sub3A_28, %lt3A_29 : vector<1x1024xf32>
    %add3A = arith.constant 4.097000e+03 : f32
    %add3A_31 = vector.broadcast %add3A : f32 to vector<1x1024xf32>
    %add3A_32 = arith.addf %sub3A_28, %add3A_31 : vector<1x1024xf32>
    %select_n3A_33 = arith.select %lt3A_30, %add3A_32, %sub3A_28 : vector<1x1024xi1>, vector<1x1024xf32>
    %max3A = arith.constant 0.000000e+00 : f32
    %max3A_34 = vector.broadcast %max3A : f32 to vector<1x1024xf32>
    %max3A_35 = arith.maximumf %select_n3A_33, %max3A_34 : vector<1x1024xf32>
    %floor3A_36 = math.floor %max3A_35 : vector<1x1024xf32>
    %sub3A_37 = arith.subf %max3A_35, %floor3A_36 : vector<1x1024xf32>
    %convert_element_type3A_38 = arith.fptosi %floor3A_36 : vector<1x1024xf32> to vector<1x1024xi32>
    %eq3A = vector.broadcast %convert_element_type3A_38 : vector<1x1024xi32> to vector<128x1024xi32>
    %eq3A_39 = arith.cmpi eq, %iota3A, %eq3A : vector<128x1024xi32>
    %convert_element_type3A_40 = arith.extui %eq3A_39 : vector<128x1024xi1> to vector<128x1024xi32>
    %convert_element_type3A_41 = arith.sitofp %convert_element_type3A_40 : vector<128x1024xi32> to vector<128x1024xf32>
    %convert_element_type3A_42 = arith.truncf %convert_element_type3A_41 : vector<128x1024xf32> to vector<128x1024xbf16>
    %get3A_43 = arith.index_cast %mul3A_25 : i32 to index
    %get3A_44 = arith.constant 0 : index
    %get3A_45 = vector.load %arg4[%get3A_43, %get3A_44] : memref<4240x192xbf16, #tpu.memory_space<vmem>>, vector<128x192xbf16>
    %dot_general3A = arith.constant dense<0.000000e+00> : vector<192x1024xf32>
    %dot_general3A_46 = tpu.matmul %get3A_45, %convert_element_type3A_42, %dot_general3A {dimension_numbers = #tpu.dot_dimension_numbers<[0], [0], [1], [1], [0, 1, 1, 1], [], []>, transpose_lhs_hint = false} : vector<128x192xbf16>, vector<128x1024xbf16>, vector<192x1024xf32> -> vector<192x1024xf32>
    %slice3A = vector.extract_strided_slice %dot_general3A_46 {offsets = [0, 0], sizes = [64, 1024], strides = [1, 1]} : vector<192x1024xf32> to vector<64x1024xf32>
    %slice3A_47 = vector.extract_strided_slice %dot_general3A_46 {offsets = [64, 0], sizes = [64, 1024], strides = [1, 1]} : vector<192x1024xf32> to vector<64x1024xf32>
    %add3A_48 = arith.addf %slice3A, %slice3A_47 : vector<64x1024xf32>
    %slice3A_49 = vector.extract_strided_slice %dot_general3A_46 {offsets = [128, 0], sizes = [64, 1024], strides = [1, 1]} : vector<192x1024xf32> to vector<64x1024xf32>
    %mul3A_50 = vector.broadcast %sub3A_37 : vector<1x1024xf32> to vector<64x1024xf32>
    %mul3A_51 = arith.mulf %mul3A_50, %slice3A_49 : vector<64x1024xf32>
    %add3A_52 = arith.addf %add3A_48, %mul3A_51 : vector<64x1024xf32>
    %get3A_53 = arith.constant 0 : index
    %get3A_54 = arith.constant 0 : index
    %get3A_55 = vector.load %arg3[%get3A_53, %get3A_54] : memref<64x8192xf32, #tpu.memory_space<vmem>>, vector<64x1024xf32>
    %reduce_max3A = arith.constant dense<0xFF800000> : vector<1024xf32>
    %reduce_max3A_56 = vector.multi_reduction <maximumf>, %get3A_55, %reduce_max3A [0] : vector<64x1024xf32> to vector<1024xf32>
    %broadcast_in_dim3A = vector.shape_cast %reduce_max3A_56 : vector<1024xf32> to vector<1x1024xf32>
    %sub3A_57 = vector.broadcast %broadcast_in_dim3A : vector<1x1024xf32> to vector<64x1024xf32>
    %sub3A_58 = arith.subf %get3A_55, %sub3A_57 : vector<64x1024xf32>
    %exp3A = math.exp %sub3A_58 : vector<64x1024xf32>
    %reduce_sum3A = arith.constant dense<0.000000e+00> : vector<1024xf32>
    %reduce_sum3A_59 = vector.multi_reduction <add>, %exp3A, %reduce_sum3A [0] : vector<64x1024xf32> to vector<1024xf32>
    %broadcast_in_dim3A_60 = vector.shape_cast %reduce_sum3A_59 : vector<1024xf32> to vector<1x1024xf32>
    %mul3A_61 = arith.mulf %add3A_52, %exp3A : vector<64x1024xf32>
    %reduce_sum3A_62 = arith.constant dense<0.000000e+00> : vector<1024xf32>
    %reduce_sum3A_63 = vector.multi_reduction <add>, %mul3A_61, %reduce_sum3A_62 [0] : vector<64x1024xf32> to vector<1024xf32>
    %broadcast_in_dim3A_64 = vector.shape_cast %reduce_sum3A_63 : vector<1024xf32> to vector<1x1024xf32>
    %div3A_65 = arith.divf %broadcast_in_dim3A_64, %broadcast_in_dim3A_60 : vector<1x1024xf32>
    %get3A_66 = arith.constant 0 : index
    %get3A_67 = arith.constant 0 : index
    %get3A_68 = vector.load %arg2[%get3A_66, %get3A_67] : memref<1x8192xf32, #tpu.memory_space<vmem>>, vector<1x1024xf32>
    %mul3A_69 = arith.mulf %div3A_65, %get3A_68 : vector<1x1024xf32>
    %swap3A = arith.constant 0 : index
    %swap3A_70 = arith.constant 0 : index
    %swap3A_71 = vector.load %arg5[%swap3A, %swap3A_70] : memref<1x8192xf32, #tpu.memory_space<vmem>>, vector<1x1024xf32>
    tpu.vector_store %arg5[%swap3A, %swap3A_70], %mul3A_69 {strides = array<i32>} : memref<1x8192xf32, #tpu.memory_space<vmem>>, vector<1x1024xf32>,
    %get3A_72 = arith.constant 0 : index
    %get3A_73 = arith.constant 0 : index
    %get3A_74 = arith.constant 1024 : index
    %get3A_75 = vector.load %arg1[%get3A_72, %get3A_73, %get3A_74] : memref<1x1x8192xf32, #tpu.memory_space<vmem>>, vector<1x1x1024xf32>
    %get3A_76 = vector.shape_cast %get3A_75 : vector<1x1x1024xf32> to vector<1x1024xf32>
    %get3A_77 = arith.constant 0 : index
    %get3A_78 = arith.constant 0 : index
    %get3A_79 = arith.constant 1024 : index
    %get3A_80 = vector.load %arg1[%get3A_77, %get3A_78, %get3A_79] : memref<1x1x8192xf32, #tpu.memory_space<vmem>>, vector<1x1x1xf32>
    %get3A_81 = vector.extract %get3A_80[0, 0, 0] : f32 from vector<1x1x1xf32>
    %floor3A_82 = math.floor %get3A_81 : f32
    %convert_element_type3A_83 = arith.fptosi %floor3A_82 : f32 to i32
    %jit3A_84 = arith.constant 16 : i32
    %div3A_85 = arith.divsi %convert_element_type3A_83, %jit3A_84 : i32
    %sign3A_86 = arith.constant 0 : i32
    %sign3A_87 = arith.cmpi sgt, %convert_element_type3A_83, %sign3A_86 : i32
    %sign3A_88 = arith.extui %sign3A_87 : i1 to i32
    %sign3A_89 = arith.constant 0 : i32
    %sign3A_90 = arith.cmpi slt, %convert_element_type3A_83, %sign3A_89 : i32
    %sign3A_91 = arith.extui %sign3A_90 : i1 to i32
    %sign3A_92 = arith.subi %sign3A_88, %sign3A_91 : i32
    %sign3A_93 = arith.constant 0 : i32
    %sign3A_94 = arith.cmpi sgt, %jit3A_84, %sign3A_93 : i32
    %sign3A_95 = arith.extui %sign3A_94 : i1 to i32
    %sign3A_96 = arith.constant 0 : i32
    %sign3A_97 = arith.cmpi slt, %jit3A_84, %sign3A_96 : i32
    %sign3A_98 = arith.extui %sign3A_97 : i1 to i32
    %sign3A_99 = arith.subi %sign3A_95, %sign3A_98 : i32
    %ne3A_100 = arith.cmpi ne, %sign3A_92, %sign3A_99 : i32
    %rem3A_101 = arith.remsi %convert_element_type3A_83, %jit3A_84 : i32
    %ne3A_102 = arith.constant 0 : i32
    %ne3A_103 = arith.cmpi ne, %rem3A_101, %ne3A_102 : i32
    %and3A_104 = arith.andi %ne3A_100, %ne3A_103 : i1
    %sub3A_105 = arith.constant 1 : i32
    %sub3A_106 = arith.subi %div3A_85, %sub3A_105 : i32
    %select_n3A_107 = arith.select %and3A_104, %sub3A_106, %div3A_85 : i32
    %mul3A_108 = arith.constant 16 : i32
    %mul3A_109 = arith.muli %select_n3A_107, %mul3A_108 : i32
    %convert_element_type3A_110 = arith.sitofp %mul3A_109 : i32 to f32
    %sub3A_111 = vector.broadcast %convert_element_type3A_110 : f32 to vector<1x1024xf32>
    %sub3A_112 = arith.subf %get3A_76, %sub3A_111 : vector<1x1024xf32>
    %lt3A_113 = arith.constant -1.024000e+03 : f32
    %lt3A_114 = vector.broadcast %lt3A_113 : f32 to vector<1x1024xf32>
    %lt3A_115 = arith.cmpf olt, %sub3A_112, %lt3A_114 : vector<1x1024xf32>
    %add3A_116 = arith.constant 4.097000e+03 : f32
    %add3A_117 = vector.broadcast %add3A_116 : f32 to vector<1x1024xf32>
    %add3A_118 = arith.addf %sub3A_112, %add3A_117 : vector<1x1024xf32>
    %select_n3A_119 = arith.select %lt3A_115, %add3A_118, %sub3A_112 : vector<1x1024xi1>, vector<1x1024xf32>
    %max3A_120 = arith.constant 0.000000e+00 : f32
    %max3A_121 = vector.broadcast %max3A_120 : f32 to vector<1x1024xf32>
    %max3A_122 = arith.maximumf %select_n3A_119, %max3A_121 : vector<1x1024xf32>
    %floor3A_123 = math.floor %max3A_122 : vector<1x1024xf32>
    %sub3A_124 = arith.subf %max3A_122, %floor3A_123 : vector<1x1024xf32>
    %convert_element_type3A_125 = arith.fptosi %floor3A_123 : vector<1x1024xf32> to vector<1x1024xi32>
    %eq3A_126 = vector.broadcast %convert_element_type3A_125 : vector<1x1024xi32> to vector<128x1024xi32>
    %eq3A_127 = arith.cmpi eq, %iota3A, %eq3A_126 : vector<128x1024xi32>
    %convert_element_type3A_128 = arith.extui %eq3A_127 : vector<128x1024xi1> to vector<128x1024xi32>
    %convert_element_type3A_129 = arith.sitofp %convert_element_type3A_128 : vector<128x1024xi32> to vector<128x1024xf32>
    %convert_element_type3A_130 = arith.truncf %convert_element_type3A_129 : vector<128x1024xf32> to vector<128x1024xbf16>
    %get3A_131 = arith.index_cast %mul3A_109 : i32 to index
    %get3A_132 = arith.constant 0 : index
    %get3A_133 = vector.load %arg4[%get3A_131, %get3A_132] : memref<4240x192xbf16, #tpu.memory_space<vmem>>, vector<128x192xbf16>
    %dot_general3A_134 = arith.constant dense<0.000000e+00> : vector<192x1024xf32>
    %dot_general3A_135 = tpu.matmul %get3A_133, %convert_element_type3A_130, %dot_general3A_134 {dimension_numbers = #tpu.dot_dimension_numbers<[0], [0], [1], [1], [0, 1, 1, 1], [], []>, transpose_lhs_hint = false} : vector<128x192xbf16>, vector<128x1024xbf16>, vector<192x1024xf32> -> vector<192x1024xf32>
    %slice3A_136 = vector.extract_strided_slice %dot_general3A_135 {offsets = [0, 0], sizes = [64, 1024], strides = [1, 1]} : vector<192x1024xf32> to vector<64x1024xf32>
    %slice3A_137 = vector.extract_strided_slice %dot_general3A_135 {offsets = [64, 0], sizes = [64, 1024], strides = [1, 1]} : vector<192x1024xf32> to vector<64x1024xf32>
    %add3A_138 = arith.addf %slice3A_136, %slice3A_137 : vector<64x1024xf32>
    %slice3A_139 = vector.extract_strided_slice %dot_general3A_135 {offsets = [128, 0], sizes = [64, 1024], strides = [1, 1]} : vector<192x1024xf32> to vector<64x1024xf32>
    %mul3A_140 = vector.broadcast %sub3A_124 : vector<1x1024xf32> to vector<64x1024xf32>
    %mul3A_141 = arith.mulf %mul3A_140, %slice3A_139 : vector<64x1024xf32>
    %add3A_142 = arith.addf %add3A_138, %mul3A_141 : vector<64x1024xf32>
    %get3A_143 = arith.constant 0 : index
    %get3A_144 = arith.constant 1024 : index
    %get3A_145 = vector.load %arg3[%get3A_143, %get3A_144] : memref<64x8192xf32, #tpu.memory_space<vmem>>, vector<64x1024xf32>
    %reduce_max3A_146 = arith.constant dense<0xFF800000> : vector<1024xf32>
    %reduce_max3A_147 = vector.multi_reduction <maximumf>, %get3A_145, %reduce_max3A_146 [0] : vector<64x1024xf32> to vector<1024xf32>
    %broadcast_in_dim3A_148 = vector.shape_cast %reduce_max3A_147 : vector<1024xf32> to vector<1x1024xf32>
    %sub3A_149 = vector.broadcast %broadcast_in_dim3A_148 : vector<1x1024xf32> to vector<64x1024xf32>
    %sub3A_150 = arith.subf %get3A_145, %sub3A_149 : vector<64x1024xf32>
    %exp3A_151 = math.exp %sub3A_150 : vector<64x1024xf32>
    %reduce_sum3A_152 = arith.constant dense<0.000000e+00> : vector<1024xf32>
    %reduce_sum3A_153 = vector.multi_reduction <add>, %exp3A_151, %reduce_sum3A_152 [0] : vector<64x1024xf32> to vector<1024xf32>
    %broadcast_in_dim3A_154 = vector.shape_cast %reduce_sum3A_153 : vector<1024xf32> to vector<1x1024xf32>
    %mul3A_155 = arith.mulf %add3A_142, %exp3A_151 : vector<64x1024xf32>
    %reduce_sum3A_156 = arith.constant dense<0.000000e+00> : vector<1024xf32>
    %reduce_sum3A_157 = vector.multi_reduction <add>, %mul3A_155, %reduce_sum3A_156 [0] : vector<64x1024xf32> to vector<1024xf32>
    %broadcast_in_dim3A_158 = vector.shape_cast %reduce_sum3A_157 : vector<1024xf32> to vector<1x1024xf32>
    %div3A_159 = arith.divf %broadcast_in_dim3A_158, %broadcast_in_dim3A_154 : vector<1x1024xf32>
    %get3A_160 = arith.constant 0 : index
    %get3A_161 = arith.constant 1024 : index
    %get3A_162 = vector.load %arg2[%get3A_160, %get3A_161] : memref<1x8192xf32, #tpu.memory_space<vmem>>, vector<1x1024xf32>
    %mul3A_163 = arith.mulf %div3A_159, %get3A_162 : vector<1x1024xf32>
    %swap3A_164 = arith.constant 0 : index
    %swap3A_165 = arith.constant 1024 : index
    %swap3A_166 = vector.load %arg5[%swap3A_164, %swap3A_165] : memref<1x8192xf32, #tpu.memory_space<vmem>>, vector<1x1024xf32>
    tpu.vector_store %arg5[%swap3A_164, %swap3A_165], %mul3A_163 {strides = array<i32>} : memref<1x8192xf32, #tpu.memory_space<vmem>>, vector<1x1024xf32>,
    %get3A_167 = arith.constant 0 : index
    %get3A_168 = arith.constant 0 : index
    %get3A_169 = arith.constant 2048 : index
    %get3A_170 = vector.load %arg1[%get3A_167, %get3A_168, %get3A_169] : memref<1x1x8192xf32, #tpu.memory_space<vmem>>, vector<1x1x1024xf32>
    %get3A_171 = vector.shape_cast %get3A_170 : vector<1x1x1024xf32> to vector<1x1024xf32>
    %get3A_172 = arith.constant 0 : index
    %get3A_173 = arith.constant 0 : index
    %get3A_174 = arith.constant 2048 : index
    %get3A_175 = vector.load %arg1[%get3A_172, %get3A_173, %get3A_174] : memref<1x1x8192xf32, #tpu.memory_space<vmem>>, vector<1x1x1xf32>
    %get3A_176 = vector.extract %get3A_175[0, 0, 0] : f32 from vector<1x1x1xf32>
    %floor3A_177 = math.floor %get3A_176 : f32
    %convert_element_type3A_178 = arith.fptosi %floor3A_177 : f32 to i32
    %jit3A_179 = arith.constant 16 : i32
    %div3A_180 = arith.divsi %convert_element_type3A_178, %jit3A_179 : i32
    %sign3A_181 = arith.constant 0 : i32
    %sign3A_182 = arith.cmpi sgt, %convert_element_type3A_178, %sign3A_181 : i32
    %sign3A_183 = arith.extui %sign3A_182 : i1 to i32
    %sign3A_184 = arith.constant 0 : i32
    %sign3A_185 = arith.cmpi slt, %convert_element_type3A_178, %sign3A_184 : i32
    %sign3A_186 = arith.extui %sign3A_185 : i1 to i32
    %sign3A_187 = arith.subi %sign3A_183, %sign3A_186 : i32
    %sign3A_188 = arith.constant 0 : i32
    %sign3A_189 = arith.cmpi sgt, %jit3A_179, %sign3A_188 : i32
    %sign3A_190 = arith.extui %sign3A_189 : i1 to i32
    %sign3A_191 = arith.constant 0 : i32
    %sign3A_192 = arith.cmpi slt, %jit3A_179, %sign3A_191 : i32
    %sign3A_193 = arith.extui %sign3A_192 : i1 to i32
    %sign3A_194 = arith.subi %sign3A_190, %sign3A_193 : i32
    %ne3A_195 = arith.cmpi ne, %sign3A_187, %sign3A_194 : i32
    %rem3A_196 = arith.remsi %convert_element_type3A_178, %jit3A_179 : i32
    %ne3A_197 = arith.constant 0 : i32
    %ne3A_198 = arith.cmpi ne, %rem3A_196, %ne3A_197 : i32
    %and3A_199 = arith.andi %ne3A_195, %ne3A_198 : i1
    %sub3A_200 = arith.constant 1 : i32
    %sub3A_201 = arith.subi %div3A_180, %sub3A_200 : i32
    %select_n3A_202 = arith.select %and3A_199, %sub3A_201, %div3A_180 : i32
    %mul3A_203 = arith.constant 16 : i32
    %mul3A_204 = arith.muli %select_n3A_202, %mul3A_203 : i32
    %convert_element_type3A_205 = arith.sitofp %mul3A_204 : i32 to f32
    %sub3A_206 = vector.broadcast %convert_element_type3A_205 : f32 to vector<1x1024xf32>
    %sub3A_207 = arith.subf %get3A_171, %sub3A_206 : vector<1x1024xf32>
    %lt3A_208 = arith.constant -1.024000e+03 : f32
    %lt3A_209 = vector.broadcast %lt3A_208 : f32 to vector<1x1024xf32>
    %lt3A_210 = arith.cmpf olt, %sub3A_207, %lt3A_209 : vector<1x1024xf32>
    %add3A_211 = arith.constant 4.097000e+03 : f32
    %add3A_212 = vector.broadcast %add3A_211 : f32 to vector<1x1024xf32>
    %add3A_213 = arith.addf %sub3A_207, %add3A_212 : vector<1x1024xf32>
    %select_n3A_214 = arith.select %lt3A_210, %add3A_213, %sub3A_207 : vector<1x1024xi1>, vector<1x1024xf32>
    %max3A_215 = arith.constant 0.000000e+00 : f32
    %max3A_216 = vector.broadcast %max3A_215 : f32 to vector<1x1024xf32>
    %max3A_217 = arith.maximumf %select_n3A_214, %max3A_216 : vector<1x1024xf32>
    %floor3A_218 = math.floor %max3A_217 : vector<1x1024xf32>
    %sub3A_219 = arith.subf %max3A_217, %floor3A_218 : vector<1x1024xf32>
    %convert_element_type3A_220 = arith.fptosi %floor3A_218 : vector<1x1024xf32> to vector<1x1024xi32>
    %eq3A_221 = vector.broadcast %convert_element_type3A_220 : vector<1x1024xi32> to vector<128x1024xi32>
    %eq3A_222 = arith.cmpi eq, %iota3A, %eq3A_221 : vector<128x1024xi32>
    %convert_element_type3A_223 = arith.extui %eq3A_222 : vector<128x1024xi1> to vector<128x1024xi32>
    %convert_element_type3A_224 = arith.sitofp %convert_element_type3A_223 : vector<128x1024xi32> to vector<128x1024xf32>
    %convert_element_type3A_225 = arith.truncf %convert_element_type3A_224 : vector<128x1024xf32> to vector<128x1024xbf16>
    %get3A_226 = arith.index_cast %mul3A_204 : i32 to index
    %get3A_227 = arith.constant 0 : index
    %get3A_228 = vector.load %arg4[%get3A_226, %get3A_227] : memref<4240x192xbf16, #tpu.memory_space<vmem>>, vector<128x192xbf16>
    %dot_general3A_229 = arith.constant dense<0.000000e+00> : vector<192x1024xf32>
    %dot_general3A_230 = tpu.matmul %get3A_228, %convert_element_type3A_225, %dot_general3A_229 {dimension_numbers = #tpu.dot_dimension_numbers<[0], [0], [1], [1], [0, 1, 1, 1], [], []>, transpose_lhs_hint = false} : vector<128x192xbf16>, vector<128x1024xbf16>, vector<192x1024xf32> -> vector<192x1024xf32>
    %slice3A_231 = vector.extract_strided_slice %dot_general3A_230 {offsets = [0, 0], sizes = [64, 1024], strides = [1, 1]} : vector<192x1024xf32> to vector<64x1024xf32>
    %slice3A_232 = vector.extract_strided_slice %dot_general3A_230 {offsets = [64, 0], sizes = [64, 1024], strides = [1, 1]} : vector<192x1024xf32> to vector<64x1024xf32>
    %add3A_233 = arith.addf %slice3A_231, %slice3A_232 : vector<64x1024xf32>
    %slice3A_234 = vector.extract_strided_slice %dot_general3A_230 {offsets = [128, 0], sizes = [64, 1024], strides = [1, 1]} : vector<192x1024xf32> to vector<64x1024xf32>
    %mul3A_235 = vector.broadcast %sub3A_219 : vector<1x1024xf32> to vector<64x1024xf32>
    %mul3A_236 = arith.mulf %mul3A_235, %slice3A_234 : vector<64x1024xf32>
    %add3A_237 = arith.addf %add3A_233, %mul3A_236 : vector<64x1024xf32>
    %get3A_238 = arith.constant 0 : index
    %get3A_239 = arith.constant 2048 : index
    %get3A_240 = vector.load %arg3[%get3A_238, %get3A_239] : memref<64x8192xf32, #tpu.memory_space<vmem>>, vector<64x1024xf32>
    %reduce_max3A_241 = arith.constant dense<0xFF800000> : vector<1024xf32>
    %reduce_max3A_242 = vector.multi_reduction <maximumf>, %get3A_240, %reduce_max3A_241 [0] : vector<64x1024xf32> to vector<1024xf32>
    %broadcast_in_dim3A_243 = vector.shape_cast %reduce_max3A_242 : vector<1024xf32> to vector<1x1024xf32>
    %sub3A_244 = vector.broadcast %broadcast_in_dim3A_243 : vector<1x1024xf32> to vector<64x1024xf32>
    %sub3A_245 = arith.subf %get3A_240, %sub3A_244 : vector<64x1024xf32>
    %exp3A_246 = math.exp %sub3A_245 : vector<64x1024xf32>
    %reduce_sum3A_247 = arith.constant dense<0.000000e+00> : vector<1024xf32>
    %reduce_sum3A_248 = vector.multi_reduction <add>, %exp3A_246, %reduce_sum3A_247 [0] : vector<64x1024xf32> to vector<1024xf32>
    %broadcast_in_dim3A_249 = vector.shape_cast %reduce_sum3A_248 : vector<1024xf32> to vector<1x1024xf32>
    %mul3A_250 = arith.mulf %add3A_237, %exp3A_246 : vector<64x1024xf32>
    %reduce_sum3A_251 = arith.constant dense<0.000000e+00> : vector<1024xf32>
    %reduce_sum3A_252 = vector.multi_reduction <add>, %mul3A_250, %reduce_sum3A_251 [0] : vector<64x1024xf32> to vector<1024xf32>
    %broadcast_in_dim3A_253 = vector.shape_cast %reduce_sum3A_252 : vector<1024xf32> to vector<1x1024xf32>
    %div3A_254 = arith.divf %broadcast_in_dim3A_253, %broadcast_in_dim3A_249 : vector<1x1024xf32>
    %get3A_255 = arith.constant 0 : index
    %get3A_256 = arith.constant 2048 : index
    %get3A_257 = vector.load %arg2[%get3A_255, %get3A_256] : memref<1x8192xf32, #tpu.memory_space<vmem>>, vector<1x1024xf32>
    %mul3A_258 = arith.mulf %div3A_254, %get3A_257 : vector<1x1024xf32>
    %swap3A_259 = arith.constant 0 : index
    %swap3A_260 = arith.constant 2048 : index
    %swap3A_261 = vector.load %arg5[%swap3A_259, %swap3A_260] : memref<1x8192xf32, #tpu.memory_space<vmem>>, vector<1x1024xf32>
    tpu.vector_store %arg5[%swap3A_259, %swap3A_260], %mul3A_258 {strides = array<i32>} : memref<1x8192xf32, #tpu.memory_space<vmem>>, vector<1x1024xf32>,
    %get3A_262 = arith.constant 0 : index
    %get3A_263 = arith.constant 0 : index
    %get3A_264 = arith.constant 3072 : index
    %get3A_265 = vector.load %arg1[%get3A_262, %get3A_263, %get3A_264] : memref<1x1x8192xf32, #tpu.memory_space<vmem>>, vector<1x1x1024xf32>
    %get3A_266 = vector.shape_cast %get3A_265 : vector<1x1x1024xf32> to vector<1x1024xf32>
    %get3A_267 = arith.constant 0 : index
    %get3A_268 = arith.constant 0 : index
    %get3A_269 = arith.constant 3072 : index
    %get3A_270 = vector.load %arg1[%get3A_267, %get3A_268, %get3A_269] : memref<1x1x8192xf32, #tpu.memory_space<vmem>>, vector<1x1x1xf32>
    %get3A_271 = vector.extract %get3A_270[0, 0, 0] : f32 from vector<1x1x1xf32>
    %floor3A_272 = math.floor %get3A_271 : f32
    %convert_element_type3A_273 = arith.fptosi %floor3A_272 : f32 to i32
    %jit3A_274 = arith.constant 16 : i32
    %div3A_275 = arith.divsi %convert_element_type3A_273, %jit3A_274 : i32
    %sign3A_276 = arith.constant 0 : i32
    %sign3A_277 = arith.cmpi sgt, %convert_element_type3A_273, %sign3A_276 : i32
    %sign3A_278 = arith.extui %sign3A_277 : i1 to i32
    %sign3A_279 = arith.constant 0 : i32
    %sign3A_280 = arith.cmpi slt, %convert_element_type3A_273, %sign3A_279 : i32
    %sign3A_281 = arith.extui %sign3A_280 : i1 to i32
    %sign3A_282 = arith.subi %sign3A_278, %sign3A_281 : i32
    %sign3A_283 = arith.constant 0 : i32
    %sign3A_284 = arith.cmpi sgt, %jit3A_274, %sign3A_283 : i32
    %sign3A_285 = arith.extui %sign3A_284 : i1 to i32
    %sign3A_286 = arith.constant 0 : i32
    %sign3A_287 = arith.cmpi slt, %jit3A_274, %sign3A_286 : i32
    %sign3A_288 = arith.extui %sign3A_287 : i1 to i32
    %sign3A_289 = arith.subi %sign3A_285, %sign3A_288 : i32
    %ne3A_290 = arith.cmpi ne, %sign3A_282, %sign3A_289 : i32
    %rem3A_291 = arith.remsi %convert_element_type3A_273, %jit3A_274 : i32
    %ne3A_292 = arith.constant 0 : i32
    %ne3A_293 = arith.cmpi ne, %rem3A_291, %ne3A_292 : i32
    %and3A_294 = arith.andi %ne3A_290, %ne3A_293 : i1
    %sub3A_295 = arith.constant 1 : i32
    %sub3A_296 = arith.subi %div3A_275, %sub3A_295 : i32
    %select_n3A_297 = arith.select %and3A_294, %sub3A_296, %div3A_275 : i32
    %mul3A_298 = arith.constant 16 : i32
    %mul3A_299 = arith.muli %select_n3A_297, %mul3A_298 : i32
    %convert_element_type3A_300 = arith.sitofp %mul3A_299 : i32 to f32
    %sub3A_301 = vector.broadcast %convert_element_type3A_300 : f32 to vector<1x1024xf32>
    %sub3A_302 = arith.subf %get3A_266, %sub3A_301 : vector<1x1024xf32>
    %lt3A_303 = arith.constant -1.024000e+03 : f32
    %lt3A_304 = vector.broadcast %lt3A_303 : f32 to vector<1x1024xf32>
    %lt3A_305 = arith.cmpf olt, %sub3A_302, %lt3A_304 : vector<1x1024xf32>
    %add3A_306 = arith.constant 4.097000e+03 : f32
    %add3A_307 = vector.broadcast %add3A_306 : f32 to vector<1x1024xf32>
    %add3A_308 = arith.addf %sub3A_302, %add3A_307 : vector<1x1024xf32>
    %select_n3A_309 = arith.select %lt3A_305, %add3A_308, %sub3A_302 : vector<1x1024xi1>, vector<1x1024xf32>
    %max3A_310 = arith.constant 0.000000e+00 : f32
    %max3A_311 = vector.broadcast %max3A_310 : f32 to vector<1x1024xf32>
    %max3A_312 = arith.maximumf %select_n3A_309, %max3A_311 : vector<1x1024xf32>
    %floor3A_313 = math.floor %max3A_312 : vector<1x1024xf32>
    %sub3A_314 = arith.subf %max3A_312, %floor3A_313 : vector<1x1024xf32>
    %convert_element_type3A_315 = arith.fptosi %floor3A_313 : vector<1x1024xf32> to vector<1x1024xi32>
    %eq3A_316 = vector.broadcast %convert_element_type3A_315 : vector<1x1024xi32> to vector<128x1024xi32>
    %eq3A_317 = arith.cmpi eq, %iota3A, %eq3A_316 : vector<128x1024xi32>
    %convert_element_type3A_318 = arith.extui %eq3A_317 : vector<128x1024xi1> to vector<128x1024xi32>
    %convert_element_type3A_319 = arith.sitofp %convert_element_type3A_318 : vector<128x1024xi32> to vector<128x1024xf32>
    %convert_element_type3A_320 = arith.truncf %convert_element_type3A_319 : vector<128x1024xf32> to vector<128x1024xbf16>
    %get3A_321 = arith.index_cast %mul3A_299 : i32 to index
    %get3A_322 = arith.constant 0 : index
    %get3A_323 = vector.load %arg4[%get3A_321, %get3A_322] : memref<4240x192xbf16, #tpu.memory_space<vmem>>, vector<128x192xbf16>
    %dot_general3A_324 = arith.constant dense<0.000000e+00> : vector<192x1024xf32>
    %dot_general3A_325 = tpu.matmul %get3A_323, %convert_element_type3A_320, %dot_general3A_324 {dimension_numbers = #tpu.dot_dimension_numbers<[0], [0], [1], [1], [0, 1, 1, 1], [], []>, transpose_lhs_hint = false} : vector<128x192xbf16>, vector<128x1024xbf16>, vector<192x1024xf32> -> vector<192x1024xf32>
    %slice3A_326 = vector.extract_strided_slice %dot_general3A_325 {offsets = [0, 0], sizes = [64, 1024], strides = [1, 1]} : vector<192x1024xf32> to vector<64x1024xf32>
    %slice3A_327 = vector.extract_strided_slice %dot_general3A_325 {offsets = [64, 0], sizes = [64, 1024], strides = [1, 1]} : vector<192x1024xf32> to vector<64x1024xf32>
    %add3A_328 = arith.addf %slice3A_326, %slice3A_327 : vector<64x1024xf32>
    %slice3A_329 = vector.extract_strided_slice %dot_general3A_325 {offsets = [128, 0], sizes = [64, 1024], strides = [1, 1]} : vector<192x1024xf32> to vector<64x1024xf32>
    %mul3A_330 = vector.broadcast %sub3A_314 : vector<1x1024xf32> to vector<64x1024xf32>
    %mul3A_331 = arith.mulf %mul3A_330, %slice3A_329 : vector<64x1024xf32>
    %add3A_332 = arith.addf %add3A_328, %mul3A_331 : vector<64x1024xf32>
    %get3A_333 = arith.constant 0 : index
    %get3A_334 = arith.constant 3072 : index
    %get3A_335 = vector.load %arg3[%get3A_333, %get3A_334] : memref<64x8192xf32, #tpu.memory_space<vmem>>, vector<64x1024xf32>
    %reduce_max3A_336 = arith.constant dense<0xFF800000> : vector<1024xf32>
    %reduce_max3A_337 = vector.multi_reduction <maximumf>, %get3A_335, %reduce_max3A_336 [0] : vector<64x1024xf32> to vector<1024xf32>
    %broadcast_in_dim3A_338 = vector.shape_cast %reduce_max3A_337 : vector<1024xf32> to vector<1x1024xf32>
    %sub3A_339 = vector.broadcast %broadcast_in_dim3A_338 : vector<1x1024xf32> to vector<64x1024xf32>
    %sub3A_340 = arith.subf %get3A_335, %sub3A_339 : vector<64x1024xf32>
    %exp3A_341 = math.exp %sub3A_340 : vector<64x1024xf32>
    %reduce_sum3A_342 = arith.constant dense<0.000000e+00> : vector<1024xf32>
    %reduce_sum3A_343 = vector.multi_reduction <add>, %exp3A_341, %reduce_sum3A_342 [0] : vector<64x1024xf32> to vector<1024xf32>
    %broadcast_in_dim3A_344 = vector.shape_cast %reduce_sum3A_343 : vector<1024xf32> to vector<1x1024xf32>
    %mul3A_345 = arith.mulf %add3A_332, %exp3A_341 : vector<64x1024xf32>
    %reduce_sum3A_346 = arith.constant dense<0.000000e+00> : vector<1024xf32>
    %reduce_sum3A_347 = vector.multi_reduction <add>, %mul3A_345, %reduce_sum3A_346 [0] : vector<64x1024xf32> to vector<1024xf32>
    %broadcast_in_dim3A_348 = vector.shape_cast %reduce_sum3A_347 : vector<1024xf32> to vector<1x1024xf32>
    %div3A_349 = arith.divf %broadcast_in_dim3A_348, %broadcast_in_dim3A_344 : vector<1x1024xf32>
    %get3A_350 = arith.constant 0 : index
    %get3A_351 = arith.constant 3072 : index
    %get3A_352 = vector.load %arg2[%get3A_350, %get3A_351] : memref<1x8192xf32, #tpu.memory_space<vmem>>, vector<1x1024xf32>
    %mul3A_353 = arith.mulf %div3A_349, %get3A_352 : vector<1x1024xf32>
    %swap3A_354 = arith.constant 0 : index
    %swap3A_355 = arith.constant 3072 : index
    %swap3A_356 = vector.load %arg5[%swap3A_354, %swap3A_355] : memref<1x8192xf32, #tpu.memory_space<vmem>>, vector<1x1024xf32>
    tpu.vector_store %arg5[%swap3A_354, %swap3A_355], %mul3A_353 {strides = array<i32>} : memref<1x8192xf32, #tpu.memory_space<vmem>>, vector<1x1024xf32>,
    %get3A_357 = arith.constant 0 : index
    %get3A_358 = arith.constant 0 : index
    %get3A_359 = arith.constant 4096 : index
    %get3A_360 = vector.load %arg1[%get3A_357, %get3A_358, %get3A_359] : memref<1x1x8192xf32, #tpu.memory_space<vmem>>, vector<1x1x1024xf32>
    %get3A_361 = vector.shape_cast %get3A_360 : vector<1x1x1024xf32> to vector<1x1024xf32>
    %get3A_362 = arith.constant 0 : index
    %get3A_363 = arith.constant 0 : index
    %get3A_364 = arith.constant 4096 : index
    %get3A_365 = vector.load %arg1[%get3A_362, %get3A_363, %get3A_364] : memref<1x1x8192xf32, #tpu.memory_space<vmem>>, vector<1x1x1xf32>
    %get3A_366 = vector.extract %get3A_365[0, 0, 0] : f32 from vector<1x1x1xf32>
    %floor3A_367 = math.floor %get3A_366 : f32
    %convert_element_type3A_368 = arith.fptosi %floor3A_367 : f32 to i32
    %jit3A_369 = arith.constant 16 : i32
    %div3A_370 = arith.divsi %convert_element_type3A_368, %jit3A_369 : i32
    %sign3A_371 = arith.constant 0 : i32
    %sign3A_372 = arith.cmpi sgt, %convert_element_type3A_368, %sign3A_371 : i32
    %sign3A_373 = arith.extui %sign3A_372 : i1 to i32
    %sign3A_374 = arith.constant 0 : i32
    %sign3A_375 = arith.cmpi slt, %convert_element_type3A_368, %sign3A_374 : i32
    %sign3A_376 = arith.extui %sign3A_375 : i1 to i32
    %sign3A_377 = arith.subi %sign3A_373, %sign3A_376 : i32
    %sign3A_378 = arith.constant 0 : i32
    %sign3A_379 = arith.cmpi sgt, %jit3A_369, %sign3A_378 : i32
    %sign3A_380 = arith.extui %sign3A_379 : i1 to i32
    %sign3A_381 = arith.constant 0 : i32
    %sign3A_382 = arith.cmpi slt, %jit3A_369, %sign3A_381 : i32
    %sign3A_383 = arith.extui %sign3A_382 : i1 to i32
    %sign3A_384 = arith.subi %sign3A_380, %sign3A_383 : i32
    %ne3A_385 = arith.cmpi ne, %sign3A_377, %sign3A_384 : i32
    %rem3A_386 = arith.remsi %convert_element_type3A_368, %jit3A_369 : i32
    %ne3A_387 = arith.constant 0 : i32
    %ne3A_388 = arith.cmpi ne, %rem3A_386, %ne3A_387 : i32
    %and3A_389 = arith.andi %ne3A_385, %ne3A_388 : i1
    %sub3A_390 = arith.constant 1 : i32
    %sub3A_391 = arith.subi %div3A_370, %sub3A_390 : i32
    %select_n3A_392 = arith.select %and3A_389, %sub3A_391, %div3A_370 : i32
    %mul3A_393 = arith.constant 16 : i32
    %mul3A_394 = arith.muli %select_n3A_392, %mul3A_393 : i32
    %convert_element_type3A_395 = arith.sitofp %mul3A_394 : i32 to f32
    %sub3A_396 = vector.broadcast %convert_element_type3A_395 : f32 to vector<1x1024xf32>
    %sub3A_397 = arith.subf %get3A_361, %sub3A_396 : vector<1x1024xf32>
    %lt3A_398 = arith.constant -1.024000e+03 : f32
    %lt3A_399 = vector.broadcast %lt3A_398 : f32 to vector<1x1024xf32>
    %lt3A_400 = arith.cmpf olt, %sub3A_397, %lt3A_399 : vector<1x1024xf32>
    %add3A_401 = arith.constant 4.097000e+03 : f32
    %add3A_402 = vector.broadcast %add3A_401 : f32 to vector<1x1024xf32>
    %add3A_403 = arith.addf %sub3A_397, %add3A_402 : vector<1x1024xf32>
    %select_n3A_404 = arith.select %lt3A_400, %add3A_403, %sub3A_397 : vector<1x1024xi1>, vector<1x1024xf32>
    %max3A_405 = arith.constant 0.000000e+00 : f32
    %max3A_406 = vector.broadcast %max3A_405 : f32 to vector<1x1024xf32>
    %max3A_407 = arith.maximumf %select_n3A_404, %max3A_406 : vector<1x1024xf32>
    %floor3A_408 = math.floor %max3A_407 : vector<1x1024xf32>
    %sub3A_409 = arith.subf %max3A_407, %floor3A_408 : vector<1x1024xf32>
    %convert_element_type3A_410 = arith.fptosi %floor3A_408 : vector<1x1024xf32> to vector<1x1024xi32>
    %eq3A_411 = vector.broadcast %convert_element_type3A_410 : vector<1x1024xi32> to vector<128x1024xi32>
    %eq3A_412 = arith.cmpi eq, %iota3A, %eq3A_411 : vector<128x1024xi32>
    %convert_element_type3A_413 = arith.extui %eq3A_412 : vector<128x1024xi1> to vector<128x1024xi32>
    %convert_element_type3A_414 = arith.sitofp %convert_element_type3A_413 : vector<128x1024xi32> to vector<128x1024xf32>
    %convert_element_type3A_415 = arith.truncf %convert_element_type3A_414 : vector<128x1024xf32> to vector<128x1024xbf16>
    %get3A_416 = arith.index_cast %mul3A_394 : i32 to index
    %get3A_417 = arith.constant 0 : index
    %get3A_418 = vector.load %arg4[%get3A_416, %get3A_417] : memref<4240x192xbf16, #tpu.memory_space<vmem>>, vector<128x192xbf16>
    %dot_general3A_419 = arith.constant dense<0.000000e+00> : vector<192x1024xf32>
    %dot_general3A_420 = tpu.matmul %get3A_418, %convert_element_type3A_415, %dot_general3A_419 {dimension_numbers = #tpu.dot_dimension_numbers<[0], [0], [1], [1], [0, 1, 1, 1], [], []>, transpose_lhs_hint = false} : vector<128x192xbf16>, vector<128x1024xbf16>, vector<192x1024xf32> -> vector<192x1024xf32>
    %slice3A_421 = vector.extract_strided_slice %dot_general3A_420 {offsets = [0, 0], sizes = [64, 1024], strides = [1, 1]} : vector<192x1024xf32> to vector<64x1024xf32>
    %slice3A_422 = vector.extract_strided_slice %dot_general3A_420 {offsets = [64, 0], sizes = [64, 1024], strides = [1, 1]} : vector<192x1024xf32> to vector<64x1024xf32>
    %add3A_423 = arith.addf %slice3A_421, %slice3A_422 : vector<64x1024xf32>
    %slice3A_424 = vector.extract_strided_slice %dot_general3A_420 {offsets = [128, 0], sizes = [64, 1024], strides = [1, 1]} : vector<192x1024xf32> to vector<64x1024xf32>
    %mul3A_425 = vector.broadcast %sub3A_409 : vector<1x1024xf32> to vector<64x1024xf32>
    %mul3A_426 = arith.mulf %mul3A_425, %slice3A_424 : vector<64x1024xf32>
    %add3A_427 = arith.addf %add3A_423, %mul3A_426 : vector<64x1024xf32>
    %get3A_428 = arith.constant 0 : index
    %get3A_429 = arith.constant 4096 : index
    %get3A_430 = vector.load %arg3[%get3A_428, %get3A_429] : memref<64x8192xf32, #tpu.memory_space<vmem>>, vector<64x1024xf32>
    %reduce_max3A_431 = arith.constant dense<0xFF800000> : vector<1024xf32>
    %reduce_max3A_432 = vector.multi_reduction <maximumf>, %get3A_430, %reduce_max3A_431 [0] : vector<64x1024xf32> to vector<1024xf32>
    %broadcast_in_dim3A_433 = vector.shape_cast %reduce_max3A_432 : vector<1024xf32> to vector<1x1024xf32>
    %sub3A_434 = vector.broadcast %broadcast_in_dim3A_433 : vector<1x1024xf32> to vector<64x1024xf32>
    %sub3A_435 = arith.subf %get3A_430, %sub3A_434 : vector<64x1024xf32>
    %exp3A_436 = math.exp %sub3A_435 : vector<64x1024xf32>
    %reduce_sum3A_437 = arith.constant dense<0.000000e+00> : vector<1024xf32>
    %reduce_sum3A_438 = vector.multi_reduction <add>, %exp3A_436, %reduce_sum3A_437 [0] : vector<64x1024xf32> to vector<1024xf32>
    %broadcast_in_dim3A_439 = vector.shape_cast %reduce_sum3A_438 : vector<1024xf32> to vector<1x1024xf32>
    %mul3A_440 = arith.mulf %add3A_427, %exp3A_436 : vector<64x1024xf32>
    %reduce_sum3A_441 = arith.constant dense<0.000000e+00> : vector<1024xf32>
    %reduce_sum3A_442 = vector.multi_reduction <add>, %mul3A_440, %reduce_sum3A_441 [0] : vector<64x1024xf32> to vector<1024xf32>
    %broadcast_in_dim3A_443 = vector.shape_cast %reduce_sum3A_442 : vector<1024xf32> to vector<1x1024xf32>
    %div3A_444 = arith.divf %broadcast_in_dim3A_443, %broadcast_in_dim3A_439 : vector<1x1024xf32>
    %get3A_445 = arith.constant 0 : index
    %get3A_446 = arith.constant 4096 : index
    %get3A_447 = vector.load %arg2[%get3A_445, %get3A_446] : memref<1x8192xf32, #tpu.memory_space<vmem>>, vector<1x1024xf32>
    %mul3A_448 = arith.mulf %div3A_444, %get3A_447 : vector<1x1024xf32>
    %swap3A_449 = arith.constant 0 : index
    %swap3A_450 = arith.constant 4096 : index
    %swap3A_451 = vector.load %arg5[%swap3A_449, %swap3A_450] : memref<1x8192xf32, #tpu.memory_space<vmem>>, vector<1x1024xf32>
    tpu.vector_store %arg5[%swap3A_449, %swap3A_450], %mul3A_448 {strides = array<i32>} : memref<1x8192xf32, #tpu.memory_space<vmem>>, vector<1x1024xf32>,
    %get3A_452 = arith.constant 0 : index
    %get3A_453 = arith.constant 0 : index
    %get3A_454 = arith.constant 5120 : index
    %get3A_455 = vector.load %arg1[%get3A_452, %get3A_453, %get3A_454] : memref<1x1x8192xf32, #tpu.memory_space<vmem>>, vector<1x1x1024xf32>
    %get3A_456 = vector.shape_cast %get3A_455 : vector<1x1x1024xf32> to vector<1x1024xf32>
    %get3A_457 = arith.constant 0 : index
    %get3A_458 = arith.constant 0 : index
    %get3A_459 = arith.constant 5120 : index
    %get3A_460 = vector.load %arg1[%get3A_457, %get3A_458, %get3A_459] : memref<1x1x8192xf32, #tpu.memory_space<vmem>>, vector<1x1x1xf32>
    %get3A_461 = vector.extract %get3A_460[0, 0, 0] : f32 from vector<1x1x1xf32>
    %floor3A_462 = math.floor %get3A_461 : f32
    %convert_element_type3A_463 = arith.fptosi %floor3A_462 : f32 to i32
    %jit3A_464 = arith.constant 16 : i32
    %div3A_465 = arith.divsi %convert_element_type3A_463, %jit3A_464 : i32
    %sign3A_466 = arith.constant 0 : i32
    %sign3A_467 = arith.cmpi sgt, %convert_element_type3A_463, %sign3A_466 : i32
    %sign3A_468 = arith.extui %sign3A_467 : i1 to i32
    %sign3A_469 = arith.constant 0 : i32
    %sign3A_470 = arith.cmpi slt, %convert_element_type3A_463, %sign3A_469 : i32
    %sign3A_471 = arith.extui %sign3A_470 : i1 to i32
    %sign3A_472 = arith.subi %sign3A_468, %sign3A_471 : i32
    %sign3A_473 = arith.constant 0 : i32
    %sign3A_474 = arith.cmpi sgt, %jit3A_464, %sign3A_473 : i32
    %sign3A_475 = arith.extui %sign3A_474 : i1 to i32
    %sign3A_476 = arith.constant 0 : i32
    %sign3A_477 = arith.cmpi slt, %jit3A_464, %sign3A_476 : i32
    %sign3A_478 = arith.extui %sign3A_477 : i1 to i32
    %sign3A_479 = arith.subi %sign3A_475, %sign3A_478 : i32
    %ne3A_480 = arith.cmpi ne, %sign3A_472, %sign3A_479 : i32
    %rem3A_481 = arith.remsi %convert_element_type3A_463, %jit3A_464 : i32
    %ne3A_482 = arith.constant 0 : i32
    %ne3A_483 = arith.cmpi ne, %rem3A_481, %ne3A_482 : i32
    %and3A_484 = arith.andi %ne3A_480, %ne3A_483 : i1
    %sub3A_485 = arith.constant 1 : i32
    %sub3A_486 = arith.subi %div3A_465, %sub3A_485 : i32
    %select_n3A_487 = arith.select %and3A_484, %sub3A_486, %div3A_465 : i32
    %mul3A_488 = arith.constant 16 : i32
    %mul3A_489 = arith.muli %select_n3A_487, %mul3A_488 : i32
    %convert_element_type3A_490 = arith.sitofp %mul3A_489 : i32 to f32
    %sub3A_491 = vector.broadcast %convert_element_type3A_490 : f32 to vector<1x1024xf32>
    %sub3A_492 = arith.subf %get3A_456, %sub3A_491 : vector<1x1024xf32>
    %lt3A_493 = arith.constant -1.024000e+03 : f32
    %lt3A_494 = vector.broadcast %lt3A_493 : f32 to vector<1x1024xf32>
    %lt3A_495 = arith.cmpf olt, %sub3A_492, %lt3A_494 : vector<1x1024xf32>
    %add3A_496 = arith.constant 4.097000e+03 : f32
    %add3A_497 = vector.broadcast %add3A_496 : f32 to vector<1x1024xf32>
    %add3A_498 = arith.addf %sub3A_492, %add3A_497 : vector<1x1024xf32>
    %select_n3A_499 = arith.select %lt3A_495, %add3A_498, %sub3A_492 : vector<1x1024xi1>, vector<1x1024xf32>
    %max3A_500 = arith.constant 0.000000e+00 : f32
    %max3A_501 = vector.broadcast %max3A_500 : f32 to vector<1x1024xf32>
    %max3A_502 = arith.maximumf %select_n3A_499, %max3A_501 : vector<1x1024xf32>
    %floor3A_503 = math.floor %max3A_502 : vector<1x1024xf32>
    %sub3A_504 = arith.subf %max3A_502, %floor3A_503 : vector<1x1024xf32>
    %convert_element_type3A_505 = arith.fptosi %floor3A_503 : vector<1x1024xf32> to vector<1x1024xi32>
    %eq3A_506 = vector.broadcast %convert_element_type3A_505 : vector<1x1024xi32> to vector<128x1024xi32>
    %eq3A_507 = arith.cmpi eq, %iota3A, %eq3A_506 : vector<128x1024xi32>
    %convert_element_type3A_508 = arith.extui %eq3A_507 : vector<128x1024xi1> to vector<128x1024xi32>
    %convert_element_type3A_509 = arith.sitofp %convert_element_type3A_508 : vector<128x1024xi32> to vector<128x1024xf32>
    %convert_element_type3A_510 = arith.truncf %convert_element_type3A_509 : vector<128x1024xf32> to vector<128x1024xbf16>
    %get3A_511 = arith.index_cast %mul3A_489 : i32 to index
    %get3A_512 = arith.constant 0 : index
    %get3A_513 = vector.load %arg4[%get3A_511, %get3A_512] : memref<4240x192xbf16, #tpu.memory_space<vmem>>, vector<128x192xbf16>
    %dot_general3A_514 = arith.constant dense<0.000000e+00> : vector<192x1024xf32>
    %dot_general3A_515 = tpu.matmul %get3A_513, %convert_element_type3A_510, %dot_general3A_514 {dimension_numbers = #tpu.dot_dimension_numbers<[0], [0], [1], [1], [0, 1, 1, 1], [], []>, transpose_lhs_hint = false} : vector<128x192xbf16>, vector<128x1024xbf16>, vector<192x1024xf32> -> vector<192x1024xf32>
    %slice3A_516 = vector.extract_strided_slice %dot_general3A_515 {offsets = [0, 0], sizes = [64, 1024], strides = [1, 1]} : vector<192x1024xf32> to vector<64x1024xf32>
    %slice3A_517 = vector.extract_strided_slice %dot_general3A_515 {offsets = [64, 0], sizes = [64, 1024], strides = [1, 1]} : vector<192x1024xf32> to vector<64x1024xf32>
    %add3A_518 = arith.addf %slice3A_516, %slice3A_517 : vector<64x1024xf32>
    %slice3A_519 = vector.extract_strided_slice %dot_general3A_515 {offsets = [128, 0], sizes = [64, 1024], strides = [1, 1]} : vector<192x1024xf32> to vector<64x1024xf32>
    %mul3A_520 = vector.broadcast %sub3A_504 : vector<1x1024xf32> to vector<64x1024xf32>
    %mul3A_521 = arith.mulf %mul3A_520, %slice3A_519 : vector<64x1024xf32>
    %add3A_522 = arith.addf %add3A_518, %mul3A_521 : vector<64x1024xf32>
    %get3A_523 = arith.constant 0 : index
    %get3A_524 = arith.constant 5120 : index
    %get3A_525 = vector.load %arg3[%get3A_523, %get3A_524] : memref<64x8192xf32, #tpu.memory_space<vmem>>, vector<64x1024xf32>
    %reduce_max3A_526 = arith.constant dense<0xFF800000> : vector<1024xf32>
    %reduce_max3A_527 = vector.multi_reduction <maximumf>, %get3A_525, %reduce_max3A_526 [0] : vector<64x1024xf32> to vector<1024xf32>
    %broadcast_in_dim3A_528 = vector.shape_cast %reduce_max3A_527 : vector<1024xf32> to vector<1x1024xf32>
    %sub3A_529 = vector.broadcast %broadcast_in_dim3A_528 : vector<1x1024xf32> to vector<64x1024xf32>
    %sub3A_530 = arith.subf %get3A_525, %sub3A_529 : vector<64x1024xf32>
    %exp3A_531 = math.exp %sub3A_530 : vector<64x1024xf32>
    %reduce_sum3A_532 = arith.constant dense<0.000000e+00> : vector<1024xf32>
    %reduce_sum3A_533 = vector.multi_reduction <add>, %exp3A_531, %reduce_sum3A_532 [0] : vector<64x1024xf32> to vector<1024xf32>
    %broadcast_in_dim3A_534 = vector.shape_cast %reduce_sum3A_533 : vector<1024xf32> to vector<1x1024xf32>
    %mul3A_535 = arith.mulf %add3A_522, %exp3A_531 : vector<64x1024xf32>
    %reduce_sum3A_536 = arith.constant dense<0.000000e+00> : vector<1024xf32>
    %reduce_sum3A_537 = vector.multi_reduction <add>, %mul3A_535, %reduce_sum3A_536 [0] : vector<64x1024xf32> to vector<1024xf32>
    %broadcast_in_dim3A_538 = vector.shape_cast %reduce_sum3A_537 : vector<1024xf32> to vector<1x1024xf32>
    %div3A_539 = arith.divf %broadcast_in_dim3A_538, %broadcast_in_dim3A_534 : vector<1x1024xf32>
    %get3A_540 = arith.constant 0 : index
    %get3A_541 = arith.constant 5120 : index
    %get3A_542 = vector.load %arg2[%get3A_540, %get3A_541] : memref<1x8192xf32, #tpu.memory_space<vmem>>, vector<1x1024xf32>
    %mul3A_543 = arith.mulf %div3A_539, %get3A_542 : vector<1x1024xf32>
    %swap3A_544 = arith.constant 0 : index
    %swap3A_545 = arith.constant 5120 : index
    %swap3A_546 = vector.load %arg5[%swap3A_544, %swap3A_545] : memref<1x8192xf32, #tpu.memory_space<vmem>>, vector<1x1024xf32>
    tpu.vector_store %arg5[%swap3A_544, %swap3A_545], %mul3A_543 {strides = array<i32>} : memref<1x8192xf32, #tpu.memory_space<vmem>>, vector<1x1024xf32>,
    %get3A_547 = arith.constant 0 : index
    %get3A_548 = arith.constant 0 : index
    %get3A_549 = arith.constant 6144 : index
    %get3A_550 = vector.load %arg1[%get3A_547, %get3A_548, %get3A_549] : memref<1x1x8192xf32, #tpu.memory_space<vmem>>, vector<1x1x1024xf32>
    %get3A_551 = vector.shape_cast %get3A_550 : vector<1x1x1024xf32> to vector<1x1024xf32>
    %get3A_552 = arith.constant 0 : index
    %get3A_553 = arith.constant 0 : index
    %get3A_554 = arith.constant 6144 : index
    %get3A_555 = vector.load %arg1[%get3A_552, %get3A_553, %get3A_554] : memref<1x1x8192xf32, #tpu.memory_space<vmem>>, vector<1x1x1xf32>
    %get3A_556 = vector.extract %get3A_555[0, 0, 0] : f32 from vector<1x1x1xf32>
    %floor3A_557 = math.floor %get3A_556 : f32
    %convert_element_type3A_558 = arith.fptosi %floor3A_557 : f32 to i32
    %jit3A_559 = arith.constant 16 : i32
    %div3A_560 = arith.divsi %convert_element_type3A_558, %jit3A_559 : i32
    %sign3A_561 = arith.constant 0 : i32
    %sign3A_562 = arith.cmpi sgt, %convert_element_type3A_558, %sign3A_561 : i32
    %sign3A_563 = arith.extui %sign3A_562 : i1 to i32
    %sign3A_564 = arith.constant 0 : i32
    %sign3A_565 = arith.cmpi slt, %convert_element_type3A_558, %sign3A_564 : i32
    %sign3A_566 = arith.extui %sign3A_565 : i1 to i32
    %sign3A_567 = arith.subi %sign3A_563, %sign3A_566 : i32
    %sign3A_568 = arith.constant 0 : i32
    %sign3A_569 = arith.cmpi sgt, %jit3A_559, %sign3A_568 : i32
    %sign3A_570 = arith.extui %sign3A_569 : i1 to i32
    %sign3A_571 = arith.constant 0 : i32
    %sign3A_572 = arith.cmpi slt, %jit3A_559, %sign3A_571 : i32
    %sign3A_573 = arith.extui %sign3A_572 : i1 to i32
    %sign3A_574 = arith.subi %sign3A_570, %sign3A_573 : i32
    %ne3A_575 = arith.cmpi ne, %sign3A_567, %sign3A_574 : i32
    %rem3A_576 = arith.remsi %convert_element_type3A_558, %jit3A_559 : i32
    %ne3A_577 = arith.constant 0 : i32
    %ne3A_578 = arith.cmpi ne, %rem3A_576, %ne3A_577 : i32
    %and3A_579 = arith.andi %ne3A_575, %ne3A_578 : i1
    %sub3A_580 = arith.constant 1 : i32
    %sub3A_581 = arith.subi %div3A_560, %sub3A_580 : i32
    %select_n3A_582 = arith.select %and3A_579, %sub3A_581, %div3A_560 : i32
    %mul3A_583 = arith.constant 16 : i32
    %mul3A_584 = arith.muli %select_n3A_582, %mul3A_583 : i32
    %convert_element_type3A_585 = arith.sitofp %mul3A_584 : i32 to f32
    %sub3A_586 = vector.broadcast %convert_element_type3A_585 : f32 to vector<1x1024xf32>
    %sub3A_587 = arith.subf %get3A_551, %sub3A_586 : vector<1x1024xf32>
    %lt3A_588 = arith.constant -1.024000e+03 : f32
    %lt3A_589 = vector.broadcast %lt3A_588 : f32 to vector<1x1024xf32>
    %lt3A_590 = arith.cmpf olt, %sub3A_587, %lt3A_589 : vector<1x1024xf32>
    %add3A_591 = arith.constant 4.097000e+03 : f32
    %add3A_592 = vector.broadcast %add3A_591 : f32 to vector<1x1024xf32>
    %add3A_593 = arith.addf %sub3A_587, %add3A_592 : vector<1x1024xf32>
    %select_n3A_594 = arith.select %lt3A_590, %add3A_593, %sub3A_587 : vector<1x1024xi1>, vector<1x1024xf32>
    %max3A_595 = arith.constant 0.000000e+00 : f32
    %max3A_596 = vector.broadcast %max3A_595 : f32 to vector<1x1024xf32>
    %max3A_597 = arith.maximumf %select_n3A_594, %max3A_596 : vector<1x1024xf32>
    %floor3A_598 = math.floor %max3A_597 : vector<1x1024xf32>
    %sub3A_599 = arith.subf %max3A_597, %floor3A_598 : vector<1x1024xf32>
    %convert_element_type3A_600 = arith.fptosi %floor3A_598 : vector<1x1024xf32> to vector<1x1024xi32>
    %eq3A_601 = vector.broadcast %convert_element_type3A_600 : vector<1x1024xi32> to vector<128x1024xi32>
    %eq3A_602 = arith.cmpi eq, %iota3A, %eq3A_601 : vector<128x1024xi32>
    %convert_element_type3A_603 = arith.extui %eq3A_602 : vector<128x1024xi1> to vector<128x1024xi32>
    %convert_element_type3A_604 = arith.sitofp %convert_element_type3A_603 : vector<128x1024xi32> to vector<128x1024xf32>
    %convert_element_type3A_605 = arith.truncf %convert_element_type3A_604 : vector<128x1024xf32> to vector<128x1024xbf16>
    %get3A_606 = arith.index_cast %mul3A_584 : i32 to index
    %get3A_607 = arith.constant 0 : index
    %get3A_608 = vector.load %arg4[%get3A_606, %get3A_607] : memref<4240x192xbf16, #tpu.memory_space<vmem>>, vector<128x192xbf16>
    %dot_general3A_609 = arith.constant dense<0.000000e+00> : vector<192x1024xf32>
    %dot_general3A_610 = tpu.matmul %get3A_608, %convert_element_type3A_605, %dot_general3A_609 {dimension_numbers = #tpu.dot_dimension_numbers<[0], [0], [1], [1], [0, 1, 1, 1], [], []>, transpose_lhs_hint = false} : vector<128x192xbf16>, vector<128x1024xbf16>, vector<192x1024xf32> -> vector<192x1024xf32>
    %slice3A_611 = vector.extract_strided_slice %dot_general3A_610 {offsets = [0, 0], sizes = [64, 1024], strides = [1, 1]} : vector<192x1024xf32> to vector<64x1024xf32>
    %slice3A_612 = vector.extract_strided_slice %dot_general3A_610 {offsets = [64, 0], sizes = [64, 1024], strides = [1, 1]} : vector<192x1024xf32> to vector<64x1024xf32>
    %add3A_613 = arith.addf %slice3A_611, %slice3A_612 : vector<64x1024xf32>
    %slice3A_614 = vector.extract_strided_slice %dot_general3A_610 {offsets = [128, 0], sizes = [64, 1024], strides = [1, 1]} : vector<192x1024xf32> to vector<64x1024xf32>
    %mul3A_615 = vector.broadcast %sub3A_599 : vector<1x1024xf32> to vector<64x1024xf32>
    %mul3A_616 = arith.mulf %mul3A_615, %slice3A_614 : vector<64x1024xf32>
    %add3A_617 = arith.addf %add3A_613, %mul3A_616 : vector<64x1024xf32>
    %get3A_618 = arith.constant 0 : index
    %get3A_619 = arith.constant 6144 : index
    %get3A_620 = vector.load %arg3[%get3A_618, %get3A_619] : memref<64x8192xf32, #tpu.memory_space<vmem>>, vector<64x1024xf32>
    %reduce_max3A_621 = arith.constant dense<0xFF800000> : vector<1024xf32>
    %reduce_max3A_622 = vector.multi_reduction <maximumf>, %get3A_620, %reduce_max3A_621 [0] : vector<64x1024xf32> to vector<1024xf32>
    %broadcast_in_dim3A_623 = vector.shape_cast %reduce_max3A_622 : vector<1024xf32> to vector<1x1024xf32>
    %sub3A_624 = vector.broadcast %broadcast_in_dim3A_623 : vector<1x1024xf32> to vector<64x1024xf32>
    %sub3A_625 = arith.subf %get3A_620, %sub3A_624 : vector<64x1024xf32>
    %exp3A_626 = math.exp %sub3A_625 : vector<64x1024xf32>
    %reduce_sum3A_627 = arith.constant dense<0.000000e+00> : vector<1024xf32>
    %reduce_sum3A_628 = vector.multi_reduction <add>, %exp3A_626, %reduce_sum3A_627 [0] : vector<64x1024xf32> to vector<1024xf32>
    %broadcast_in_dim3A_629 = vector.shape_cast %reduce_sum3A_628 : vector<1024xf32> to vector<1x1024xf32>
    %mul3A_630 = arith.mulf %add3A_617, %exp3A_626 : vector<64x1024xf32>
    %reduce_sum3A_631 = arith.constant dense<0.000000e+00> : vector<1024xf32>
    %reduce_sum3A_632 = vector.multi_reduction <add>, %mul3A_630, %reduce_sum3A_631 [0] : vector<64x1024xf32> to vector<1024xf32>
    %broadcast_in_dim3A_633 = vector.shape_cast %reduce_sum3A_632 : vector<1024xf32> to vector<1x1024xf32>
    %div3A_634 = arith.divf %broadcast_in_dim3A_633, %broadcast_in_dim3A_629 : vector<1x1024xf32>
    %get3A_635 = arith.constant 0 : index
    %get3A_636 = arith.constant 6144 : index
    %get3A_637 = vector.load %arg2[%get3A_635, %get3A_636] : memref<1x8192xf32, #tpu.memory_space<vmem>>, vector<1x1024xf32>
    %mul3A_638 = arith.mulf %div3A_634, %get3A_637 : vector<1x1024xf32>
    %swap3A_639 = arith.constant 0 : index
    %swap3A_640 = arith.constant 6144 : index
    %swap3A_641 = vector.load %arg5[%swap3A_639, %swap3A_640] : memref<1x8192xf32, #tpu.memory_space<vmem>>, vector<1x1024xf32>
    tpu.vector_store %arg5[%swap3A_639, %swap3A_640], %mul3A_638 {strides = array<i32>} : memref<1x8192xf32, #tpu.memory_space<vmem>>, vector<1x1024xf32>,
    %get3A_642 = arith.constant 0 : index
    %get3A_643 = arith.constant 0 : index
    %get3A_644 = arith.constant 7168 : index
    %get3A_645 = vector.load %arg1[%get3A_642, %get3A_643, %get3A_644] : memref<1x1x8192xf32, #tpu.memory_space<vmem>>, vector<1x1x1024xf32>
    %get3A_646 = vector.shape_cast %get3A_645 : vector<1x1x1024xf32> to vector<1x1024xf32>
    %get3A_647 = arith.constant 0 : index
    %get3A_648 = arith.constant 0 : index
    %get3A_649 = arith.constant 7168 : index
    %get3A_650 = vector.load %arg1[%get3A_647, %get3A_648, %get3A_649] : memref<1x1x8192xf32, #tpu.memory_space<vmem>>, vector<1x1x1xf32>
    %get3A_651 = vector.extract %get3A_650[0, 0, 0] : f32 from vector<1x1x1xf32>
    %floor3A_652 = math.floor %get3A_651 : f32
    %convert_element_type3A_653 = arith.fptosi %floor3A_652 : f32 to i32
    %jit3A_654 = arith.constant 16 : i32
    %div3A_655 = arith.divsi %convert_element_type3A_653, %jit3A_654 : i32
    %sign3A_656 = arith.constant 0 : i32
    %sign3A_657 = arith.cmpi sgt, %convert_element_type3A_653, %sign3A_656 : i32
    %sign3A_658 = arith.extui %sign3A_657 : i1 to i32
    %sign3A_659 = arith.constant 0 : i32
    %sign3A_660 = arith.cmpi slt, %convert_element_type3A_653, %sign3A_659 : i32
    %sign3A_661 = arith.extui %sign3A_660 : i1 to i32
    %sign3A_662 = arith.subi %sign3A_658, %sign3A_661 : i32
    %sign3A_663 = arith.constant 0 : i32
    %sign3A_664 = arith.cmpi sgt, %jit3A_654, %sign3A_663 : i32
    %sign3A_665 = arith.extui %sign3A_664 : i1 to i32
    %sign3A_666 = arith.constant 0 : i32
    %sign3A_667 = arith.cmpi slt, %jit3A_654, %sign3A_666 : i32
    %sign3A_668 = arith.extui %sign3A_667 : i1 to i32
    %sign3A_669 = arith.subi %sign3A_665, %sign3A_668 : i32
    %ne3A_670 = arith.cmpi ne, %sign3A_662, %sign3A_669 : i32
    %rem3A_671 = arith.remsi %convert_element_type3A_653, %jit3A_654 : i32
    %ne3A_672 = arith.constant 0 : i32
    %ne3A_673 = arith.cmpi ne, %rem3A_671, %ne3A_672 : i32
    %and3A_674 = arith.andi %ne3A_670, %ne3A_673 : i1
    %sub3A_675 = arith.constant 1 : i32
    %sub3A_676 = arith.subi %div3A_655, %sub3A_675 : i32
    %select_n3A_677 = arith.select %and3A_674, %sub3A_676, %div3A_655 : i32
    %mul3A_678 = arith.constant 16 : i32
    %mul3A_679 = arith.muli %select_n3A_677, %mul3A_678 : i32
    %convert_element_type3A_680 = arith.sitofp %mul3A_679 : i32 to f32
    %sub3A_681 = vector.broadcast %convert_element_type3A_680 : f32 to vector<1x1024xf32>
    %sub3A_682 = arith.subf %get3A_646, %sub3A_681 : vector<1x1024xf32>
    %lt3A_683 = arith.constant -1.024000e+03 : f32
    %lt3A_684 = vector.broadcast %lt3A_683 : f32 to vector<1x1024xf32>
    %lt3A_685 = arith.cmpf olt, %sub3A_682, %lt3A_684 : vector<1x1024xf32>
    %add3A_686 = arith.constant 4.097000e+03 : f32
    %add3A_687 = vector.broadcast %add3A_686 : f32 to vector<1x1024xf32>
    %add3A_688 = arith.addf %sub3A_682, %add3A_687 : vector<1x1024xf32>
    %select_n3A_689 = arith.select %lt3A_685, %add3A_688, %sub3A_682 : vector<1x1024xi1>, vector<1x1024xf32>
    %max3A_690 = arith.constant 0.000000e+00 : f32
    %max3A_691 = vector.broadcast %max3A_690 : f32 to vector<1x1024xf32>
    %max3A_692 = arith.maximumf %select_n3A_689, %max3A_691 : vector<1x1024xf32>
    %floor3A_693 = math.floor %max3A_692 : vector<1x1024xf32>
    %sub3A_694 = arith.subf %max3A_692, %floor3A_693 : vector<1x1024xf32>
    %convert_element_type3A_695 = arith.fptosi %floor3A_693 : vector<1x1024xf32> to vector<1x1024xi32>
    %eq3A_696 = vector.broadcast %convert_element_type3A_695 : vector<1x1024xi32> to vector<128x1024xi32>
    %eq3A_697 = arith.cmpi eq, %iota3A, %eq3A_696 : vector<128x1024xi32>
    %convert_element_type3A_698 = arith.extui %eq3A_697 : vector<128x1024xi1> to vector<128x1024xi32>
    %convert_element_type3A_699 = arith.sitofp %convert_element_type3A_698 : vector<128x1024xi32> to vector<128x1024xf32>
    %convert_element_type3A_700 = arith.truncf %convert_element_type3A_699 : vector<128x1024xf32> to vector<128x1024xbf16>
    %get3A_701 = arith.index_cast %mul3A_679 : i32 to index
    %get3A_702 = arith.constant 0 : index
    %get3A_703 = vector.load %arg4[%get3A_701, %get3A_702] : memref<4240x192xbf16, #tpu.memory_space<vmem>>, vector<128x192xbf16>
    %dot_general3A_704 = arith.constant dense<0.000000e+00> : vector<192x1024xf32>
    %dot_general3A_705 = tpu.matmul %get3A_703, %convert_element_type3A_700, %dot_general3A_704 {dimension_numbers = #tpu.dot_dimension_numbers<[0], [0], [1], [1], [0, 1, 1, 1], [], []>, transpose_lhs_hint = false} : vector<128x192xbf16>, vector<128x1024xbf16>, vector<192x1024xf32> -> vector<192x1024xf32>
    %slice3A_706 = vector.extract_strided_slice %dot_general3A_705 {offsets = [0, 0], sizes = [64, 1024], strides = [1, 1]} : vector<192x1024xf32> to vector<64x1024xf32>
    %slice3A_707 = vector.extract_strided_slice %dot_general3A_705 {offsets = [64, 0], sizes = [64, 1024], strides = [1, 1]} : vector<192x1024xf32> to vector<64x1024xf32>
    %add3A_708 = arith.addf %slice3A_706, %slice3A_707 : vector<64x1024xf32>
    %slice3A_709 = vector.extract_strided_slice %dot_general3A_705 {offsets = [128, 0], sizes = [64, 1024], strides = [1, 1]} : vector<192x1024xf32> to vector<64x1024xf32>
    %mul3A_710 = vector.broadcast %sub3A_694 : vector<1x1024xf32> to vector<64x1024xf32>
    %mul3A_711 = arith.mulf %mul3A_710, %slice3A_709 : vector<64x1024xf32>
    %add3A_712 = arith.addf %add3A_708, %mul3A_711 : vector<64x1024xf32>
    %get3A_713 = arith.constant 0 : index
    %get3A_714 = arith.constant 7168 : index
    %get3A_715 = vector.load %arg3[%get3A_713, %get3A_714] : memref<64x8192xf32, #tpu.memory_space<vmem>>, vector<64x1024xf32>
    %reduce_max3A_716 = arith.constant dense<0xFF800000> : vector<1024xf32>
    %reduce_max3A_717 = vector.multi_reduction <maximumf>, %get3A_715, %reduce_max3A_716 [0] : vector<64x1024xf32> to vector<1024xf32>
    %broadcast_in_dim3A_718 = vector.shape_cast %reduce_max3A_717 : vector<1024xf32> to vector<1x1024xf32>
    %sub3A_719 = vector.broadcast %broadcast_in_dim3A_718 : vector<1x1024xf32> to vector<64x1024xf32>
    %sub3A_720 = arith.subf %get3A_715, %sub3A_719 : vector<64x1024xf32>
    %exp3A_721 = math.exp %sub3A_720 : vector<64x1024xf32>
    %reduce_sum3A_722 = arith.constant dense<0.000000e+00> : vector<1024xf32>
    %reduce_sum3A_723 = vector.multi_reduction <add>, %exp3A_721, %reduce_sum3A_722 [0] : vector<64x1024xf32> to vector<1024xf32>
    %broadcast_in_dim3A_724 = vector.shape_cast %reduce_sum3A_723 : vector<1024xf32> to vector<1x1024xf32>
    %mul3A_725 = arith.mulf %add3A_712, %exp3A_721 : vector<64x1024xf32>
    %reduce_sum3A_726 = arith.constant dense<0.000000e+00> : vector<1024xf32>
    %reduce_sum3A_727 = vector.multi_reduction <add>, %mul3A_725, %reduce_sum3A_726 [0] : vector<64x1024xf32> to vector<1024xf32>
    %broadcast_in_dim3A_728 = vector.shape_cast %reduce_sum3A_727 : vector<1024xf32> to vector<1x1024xf32>
    %div3A_729 = arith.divf %broadcast_in_dim3A_728, %broadcast_in_dim3A_724 : vector<1x1024xf32>
    %get3A_730 = arith.constant 0 : index
    %get3A_731 = arith.constant 7168 : index
    %get3A_732 = vector.load %arg2[%get3A_730, %get3A_731] : memref<1x8192xf32, #tpu.memory_space<vmem>>, vector<1x1024xf32>
    %mul3A_733 = arith.mulf %div3A_729, %get3A_732 : vector<1x1024xf32>
    %swap3A_734 = arith.constant 0 : index
    %swap3A_735 = arith.constant 7168 : index
    %swap3A_736 = vector.load %arg5[%swap3A_734, %swap3A_735] : memref<1x8192xf32, #tpu.memory_space<vmem>>, vector<1x1024xf32>
    tpu.vector_store %arg5[%swap3A_734, %swap3A_735], %mul3A_733 {strides = array<i32>} : memref<1x8192xf32, #tpu.memory_space<vmem>>, vector<1x1024xf32>,
    return
  }
  func.func @transform_0(%arg0: i32) -> (i32, i32, i32) {
    %add3A = arith.constant 53 : i32
    %add3A_0 = arith.addi %arg0, %add3A : i32
    %jit3A = arith.constant 7 : i32
    %div3A = arith.divsi %add3A_0, %jit3A : i32
    %sign3A = arith.constant 0 : i32
    %sign3A_1 = arith.cmpi sgt, %add3A_0, %sign3A : i32
    %sign3A_2 = arith.extui %sign3A_1 : i1 to i32
    %sign3A_3 = arith.constant 0 : i32
    %sign3A_4 = arith.cmpi slt, %add3A_0, %sign3A_3 : i32
    %sign3A_5 = arith.extui %sign3A_4 : i1 to i32
    %sign3A_6 = arith.subi %sign3A_2, %sign3A_5 : i32
    %sign3A_7 = arith.constant 0 : i32
    %sign3A_8 = arith.cmpi sgt, %jit3A, %sign3A_7 : i32
    %sign3A_9 = arith.extui %sign3A_8 : i1 to i32
    %sign3A_10 = arith.constant 0 : i32
    %sign3A_11 = arith.cmpi slt, %jit3A, %sign3A_10 : i32
    %sign3A_12 = arith.extui %sign3A_11 : i1 to i32
    %sign3A_13 = arith.subi %sign3A_9, %sign3A_12 : i32
    %ne3A = arith.cmpi ne, %sign3A_6, %sign3A_13 : i32
    %rem3A = arith.remsi %add3A_0, %jit3A : i32
    %ne3A_14 = arith.constant 0 : i32
    %ne3A_15 = arith.cmpi ne, %rem3A, %ne3A_14 : i32
    %and3A = arith.andi %ne3A, %ne3A_15 : i1
    %sub3A = arith.constant 1 : i32
    %sub3A_16 = arith.subi %div3A, %sub3A : i32
    %select_n3A = arith.select %and3A, %sub3A_16, %div3A : i32
    %add3A_17 = arith.constant 53 : i32
    %add3A_18 = arith.addi %arg0, %add3A_17 : i32
    %jit3A_19 = arith.constant 7 : i32
    %eq3A = arith.constant 0 : i32
    %eq3A_20 = arith.cmpi eq, %jit3A_19, %eq3A : i32
    %jit3A_21 = arith.constant 1 : i32
    %select_n3A_22 = arith.select %eq3A_20, %jit3A_21, %jit3A_19 : i32
    %rem3A_23 = arith.remsi %add3A_18, %select_n3A_22 : i32
    %ne3A_24 = arith.constant 0 : i32
    %ne3A_25 = arith.cmpi ne, %rem3A_23, %ne3A_24 : i32
    %lt3A = arith.constant 0 : i32
    %lt3A_26 = arith.cmpi slt, %rem3A_23, %lt3A : i32
    %lt3A_27 = arith.constant 0 : i32
    %lt3A_28 = arith.cmpi slt, %select_n3A_22, %lt3A_27 : i32
    %ne3A_29 = arith.xori %lt3A_26, %lt3A_28 : i1
    %and3A_30 = arith.andi %ne3A_29, %ne3A_25 : i1
    %add3A_31 = arith.addi %rem3A_23, %select_n3A_22 : i32
    %select_n3A_32 = arith.select %and3A_30, %add3A_31, %rem3A_23 : i32
    %c0_i32 = arith.constant 0 : i32
    %c0_i32_33 = arith.constant 0 : i32
    return %select_n3A, %c0_i32, %select_n3A_32 : i32, i32, i32
  }
  func.func @transform_1(%arg0: i32) -> (i32, i32) {
    %add3A = arith.constant 53 : i32
    %add3A_0 = arith.addi %arg0, %add3A : i32
    %c0_i32 = arith.constant 0 : i32
    %c0_i32_1 = arith.constant 0 : i32
    return %c0_i32, %add3A_0 : i32, i32
  }
  func.func @transform_2(%arg0: i32) -> (i32, i32) {
    %add3A = arith.constant 53 : i32
    %add3A_0 = arith.addi %arg0, %add3A : i32
    %c0_i32 = arith.constant 0 : i32
    %c0_i32_1 = arith.constant 0 : i32
    return %c0_i32, %add3A_0 : i32, i32
  }
  func.func @transform_3(%arg0: i32) -> (i32, i32) {
    %c0_i32 = arith.constant 0 : i32
    %c0_i32_0 = arith.constant 0 : i32
    %c0_i32_1 = arith.constant 0 : i32
    return %c0_i32, %c0_i32_0 : i32, i32
  }
  func.func @transform_4(%arg0: i32) -> (i32, i32) {
    %c0_i32 = arith.constant 0 : i32
    %c0_i32_0 = arith.constant 0 : i32
    return %c0_i32, %arg0 : i32, i32
  }
}

</mosaic_0001>

<sc_bundles>
// kernel: _run.5.cloned.1.call-start
scs
__scs_entry_jumppad:
0x0: {  	(pc) =	sbr.rel $0x88, $3  }
0x1: {  	(tag) =	ssettag $0x0;
	lr =	simm.s32 $0x1  }
0x2: {  	[smem:$0x3F9D] =	sst lr;
	_ =	strace $0xD0000000  }
0x3: {  	_ = 	snop  }
0x4: {  	_ = 	snop  }
0x5: {  	_ = 	snop  }
0x6: {  	_ = 	snop  }
0x7: {  	_ = 	snop  }
__scs_overlays_trampoline_lowered:
0x8: {  	[smem:$0x3FAC] =	sst s0  }
0x9: {  	[smem:$0x3FAD] =	sst s1  }
0xa: {  	[smem:$0x3FAE] =	sst s2  }
0xb: {  	[smem:$0x3FAF] =	sst s3  }
0xc: {  	[smem:$0x3FB0] =	sst s4  }
0xd: {  	[smem:$0x3FB1] =	sst s5  }
0xe: {  	[smem:$0x3FB2] =	sst s6  }
0xf: {  	[smem:$0x3FB3] =	sst s7  }
0x10: {  	[smem:$0x3FB4] =	sst s8  }
0x11: {  	[smem:$0x3FB5] =	sst s9;
	s0 =	simm.s32 @!p0 $0x0  }
0x12: {  	s1 =	sld [smem:$0x3F9B];
	s0 =	simm.s32 @p0 $0x1  }
0x13: {  	[smem:$0x3FB6] =	sst s0;
	s0 =	simm.s32 @!p1 $0x0  }
0x14: {  	s2 =	sld [smem:$0x3F9A];
	s0 =	simm.s32 @p1 $0x1  }
0x15: {  	[smem:$0x3FB7] =	sst s0;
	s0 =	simm.s32 @!p2 $0x0  }
0x16: {  	s3 =	sld [smem:$0x3FDB];
	s0 =	simm.s32 @p2 $0x1  }
0x17: {  	s4 =	simm.s32 $0x1BF5;
	[smem:$0x3FB9] =	sst s0  }
0x18: {  	s0 =	sld [smem:$0x3F9C];
	_ =	swait.ge [sflag:s4], $0x0  }
0x19: {  	s7 =	sld [smem:$0x3F9D]  }
0x1a: {  	s8 =	sadd.s32 $0xFFFFE003, lr  }
0x1b: {  	s9 =	sadd.s32 $0xFFFFFEF7, lr;
	s5 =	simm.s32 $0xFFFFFFFF;
	p2 =	slt.u32 s8, $0xFFFFF086  }
0x1c: {  	p1 =	slt.u32 s9, $0xF7A;
	s5 =	simm.s32 @!p2 $0x0  }
0x1d: {  	s5 =	simm.s32 @p1 $0x1;
	p0 =	seq.s32 s7, s2  }
0x1e: {  	s7 =	smul.u32 @!p0 $0xF7A, s2;
	p2 =	seq.s32 @!p0 s5, $0x0  }
0x1f: {  	s9 =	smul.u32 $0xF7A, s1;
	s8 =	simm.s32 @!p0 $0x1BF5;
	p2 =	por !p2, p0  }
0x20: {  	[sflag:s8] =	ssyncset.s32 @!p0 $0xFFFFF086;
	s6 =	sadd.s32 @!p0 s3, s7;
	s7 =	simm.s32 @!p0 $0x108  }
0x21: {  	s3 =	sadd.s32 s3, s9;
	s6 =	sadd.s32 @!p0 $0x88, s6;
	s7 =	simm.s32 @p2 $0x1082  }
0x22: {  	[simem:s7], [sflag:s8] =	dma.local @!p0 [hbm:s6], $0xF7A  }
0x23: {  	s9 =	sor.u32 $0xD0000000, s2;
	s6 =	simm.s32 $0x108;
	_ =	swait.ge @!p0 [sflag:s8], $0x0  }
0x24: {  	s3 =	sadd.s32 $0x88, s3;
	s6 =	simm.s32 @!p1 $0x1082;
	[sflag:s4] =	ssyncset.s32 $0xFFFFF086  }
0x25: {  	[simem:s6], [sflag:s4] =	dma.local [hbm:s3], $0xF7A  }
0x26: {  	[smem:$0x3F9D] =	sst s1;
	(tag) =	ssettag s2;
	_ =	strace s9  }
0x27: {  	s1 =	sld [smem:$0x3FAD]  }
0x28: {  	s2 =	sld [smem:$0x3FAE]  }
0x29: {  	s4 =	sld [smem:$0x3FB0]  }
0x2a: {  	p0 =	seq.s32 s5, $0x0;
	s5 =	sld [smem:$0x3FB1]  }
0x2b: {  	s6 =	sld [smem:$0x3FB2]  }
0x2c: {  	s7 =	sld [smem:$0x3FB3]  }
0x2d: {  	s3 =	simm.s32 $0x108;
	s8 =	sld [smem:$0x3FB4]  }
0x2e: {  	s3 =	simm.s32 @!p0 $0x1082;
	s9 =	sld [smem:$0x3FB5]  }
0x2f: {  	lr =	sadd.s32 s0, s3;
	s0 =	sld [smem:$0x3FAC]  }
0x30: {  	s3 =	sld [smem:$0x3FAF]  }
0x31: {  	[smem:$0x3FB8] =	sst s10  }
0x32: {  	s10 =	sld [smem:$0x3FB6];
	_ =	sdelay $0x3  }
0x33: {  	p0 =	seq.s32 s10, $0x1;
	s10 =	sld [smem:$0x3FB8];
	_ =	sdelay $0x3  }
0x34: {  	[smem:$0x3FB8] =	sst s10  }
0x35: {  	s10 =	sld [smem:$0x3FB7];
	_ =	sdelay $0x3  }
0x36: {  	p1 =	seq.s32 s10, $0x1;
	s10 =	sld [smem:$0x3FB8];
	_ =	sdelay $0x3  }
0x37: {  	[smem:$0x3FB8] =	sst s10  }
0x38: {  	s10 =	sld [smem:$0x3FB9]  }
0x39: {  	_ = 	snop;
	(pc) =	sbr.ind lr, $3  }
0x3a: {  	_ = 	snop  }
0x3b: {  	_ = 	snop  }
0x3c: {  	p2 =	seq.s32 s10, $0x1;
	s10 =	sld [smem:$0x3FB8]  }
0x3d: {  	_ =	shalt  }
0x3e: {  	_ =	shalt  }
0x3f: {  	_ =	shalt  }
0x40: {  	_ =	shalt  }
0x41: {  	_ =	shalt  }
0x42: {  	_ =	shalt  }
0x43: {  	_ =	shalt  }
0x44: {  	_ =	shalt  }
0x45: {  	_ =	shalt  }
0x46: {  	_ =	shalt  }
0x47: {  	_ =	shalt  }
0x48: {  	_ =	shalt  }
0x49: {  	_ =	shalt  }
0x4a: {  	_ =	shalt  }
0x4b: {  	_ =	shalt  }
0x4c: {  	_ =	shalt  }
0x4d: {  	_ =	shalt  }
0x4e: {  	_ =	shalt  }
0x4f: {  	_ =	shalt  }
0x50: {  	_ =	shalt  }
0x51: {  	_ =	shalt  }
0x52: {  	_ =	shalt  }
0x53: {  	_ =	shalt  }
0x54: {  	_ =	shalt  }
0x55: {  	_ =	shalt  }
0x56: {  	_ =	shalt  }
0x57: {  	_ =	shalt  }
0x58: {  	_ =	shalt  }
0x59: {  	_ =	shalt  }
0x5a: {  	_ =	shalt  }
0x5b: {  	_ =	shalt  }
0x5c: {  	_ =	shalt  }
0x5d: {  	_ =	shalt  }
0x5e: {  	_ =	shalt  }
0x5f: {  	_ =	shalt  }
0x60: {  	_ =	shalt  }
0x61: {  	_ =	shalt  }
0x62: {  	_ =	shalt  }
0x63: {  	_ =	shalt  }
0x64: {  	_ =	shalt  }
0x65: {  	_ =	shalt  }
0x66: {  	_ =	shalt  }
0x67: {  	_ =	shalt  }
0x68: {  	_ =	shalt  }
0x69: {  	_ =	shalt  }
0x6a: {  	_ =	shalt  }
0x6b: {  	_ =	shalt  }
0x6c: {  	_ =	shalt  }
0x6d: {  	_ =	shalt  }
0x6e: {  	_ =	shalt  }
0x6f: {  	_ =	shalt  }
0x70: {  	_ =	shalt  }
0x71: {  	_ =	shalt  }
0x72: {  	_ =	shalt  }
0x73: {  	_ =	shalt  }
0x74: {  	_ =	shalt  }
0x75: {  	_ =	shalt  }
0x76: {  	_ =	shalt  }
0x77: {  	_ =	shalt  }
0x78: {  	_ =	shalt  }
0x79: {  	_ =	shalt  }
0x7a: {  	_ =	shalt  }
0x7b: {  	_ =	shalt  }
0x7c: {  	_ =	shalt  }
0x7d: {  	_ =	shalt  }
0x7e: {  	_ =	shalt  }
0x7f: {  	_ =	shalt  }
0x80: {  	_ =	shalt  }
0x81: {  	_ =	shalt  }
0x82: {  	_ =	shalt  }
0x83: {  	_ =	shalt  }
0x84: {  	_ =	shalt  }
0x85: {  	_ =	shalt  }
0x86: {  	_ =	shalt  }
0x87: {  	_ =	shalt  }
.Lfunc_end0:
.L_simem_size_0:
called_computation_lowered:
.L_overlay_start_0:
0x88: {  	s2 =	sld [smem:$0x3FD9]  }
0x89: {  	s3 =	sld [smem:$0x3FFE];
	_ =	sdelay $0x1  }
0x8a: {  	s1 =	srdreg.scid  }
0x8b: {  	s0 =	sand.u32 $0x1, s1  }
0x8c: {  	s17 =	sshll.u32 s0, $0xA;
	s2 =	sadd.s32 s3, s2  }
0x8d: {  	s2 =	sadd.s32 s2, s17  }
0x8e: {  	[smem:$0x3FC4] =	sst s2  }
0x8f: {  	_ = 	snop  }
0x90: {  	s2 =	sld [smem:$0x3FC6]  }
0x91: {  	s18 =	sld [smem:$0x3FD0];
	(tm) =	ssettm $0x1  }
0x92: {  	s4 =	sld [smem:$0x3FFB];
	_ =	sdelay $0x3  }
0x93: {  	_ =	strace s4  }
0x94: {  	s4 =	sld [smem:$0x3FFC];
	_ =	sdelay $0x3  }
0x95: {  	_ =	strace s4  }
0x96: {  	s4 =	sld [smem:$0x3FFD];
	_ =	sdelay $0x3  }
0x97: {  	_ =	strace s4  }
0x98: {  	_ =	strace $0x8FFFFFFF  }
0x99: {  	s19 =	sld [smem:$0x3FDB];
	_ =	sdelay $0x1  }
0x9a: {  	s5 =	simm.s32 $_scs_section_size  }
0x9b: {  	s6 =	simm.s32 $_size__tile_overlayer_lowered;
	s7 =	simm.s32 $_tile_overlayer_lowered  }
0x9c: {  	s22 =	simm.s32 $0x1BFF;
	s21 =	sshll.u32 s7, $0x1;
	s4 =	sadd.s32 s5, s19  }
0x9d: {  	s8 =	simm.s32 $0x0;
	s20 =	sshll.u32 s6, $0x1;
	s6 =	sadd.s32 s21, s4  }
0x9e: {  	[timem:s8], [sflag:s22] =	dma.local [hbm:s6], s20  }
0x9f: {  	_ =	swait.ge [sflag:s22], s20  }
0xa0: {  	s5 =	ssub.s32 $0x0, s20;
	[sflag:s22] =	ssyncset.done $0x0  }
0xa1: {  	[sflag:s22] =	ssyncadd.s32 s5;
	_ =	sdelay $0x1  }
0xa2: {  	s23 =	simm.s32 $0x1B8B  }
0xa3: {  	_ =	swait.ge [sflag:s23], $0x1  }
0xa4: {  	[sflag:s23] =	ssyncset.done $0x0  }
0xa5: {  	s25 =	simm.s32 $0x1B8E;
	s24 =	sld [smem:$0x3FFE];
	[sflag:s23] =	ssyncadd.s32 $0xFFFFFFFF  }
0xa6: {  	s26 =	simm.s32 $execute0_lowered;
	[smem:$0x3FD2] =	sst s25  }
0xa7: {  	s6 =	sshll.u32 s26, $0x1;
	_ =	strace $0x80000046;
	[dreg:$0x1] =	wrdreg $0xFFFFFFFF  }
0xa8: {  	s28 =	simm.s32 $_size_execute0_lowered;
	s4 =	sadd.s32 s4, s6;
	[dreg:$0x0] =	wrdreg $0x0  }
0xa9: {  	s6 =	sshll.u32 s28, $0x1;
	[dreg:$0x2] =	wrdreg s4  }
0xaa: {  	[dreg:$0x3] =	wrdreg s6  }
0xab: {  	[dreg:$0x4] =	wrdreg $0xC0  }
0xac: {  	_ =	task [dreg:s8], $0x5FFFF  }
0xad: {  	[dreg:$0x1] =	wrdreg $0xFFFFFFFF  }
0xae: {  	[dreg:$0x0] =	wrdreg $0x60  }
0xaf: {  	[dreg:$0x2] =	wrdreg s18  }
0xb0: {  	[dreg:$0x3] =	wrdreg s24  }
0xb1: {  	[dreg:$0x4] =	wrdreg s2  }
0xb2: {  	[dreg:$0x5] =	wrdreg $0x9  }
0xb3: {  	_ =	task.clear_ibuf [dreg:s8], $0x6FFFF;
	_ =	strace $0x90000046  }
0xb4: {  	s29 =	simm.s32 $0x9;
	_ =	strace $0x80000048  }
0xb5: {  	_ =	swait.ge [sflag:s29], $0x1  }
0xb6: {  	[sflag:s29] =	ssyncadd.s32 $0xFFFFFFFF  }
0xb7: {  	_ =	strace $0x90000048  }
0xb8: {  	_ =	sfence  }
0xb9: {  	s30 =	sld [smem:$0x0];
	_ =	sdelay $0x2  }
0xba: {  	s31 =	sshll.u32 s1, $0xD;
	s1 =	sshrl.u32 s1, $0x2  }
0xbb: {  	s3 =	sand.u32 $0x4000, s31;
	s1 =	sadd.s32 s1, s30  }
0xbc: {  	s0 =	sor.u32 s3, s0;
	s1 =	sshll.u32 s1, $0x11  }
0xbd: {  	s0 =	sor.u32 s1, s0  }
0xbe: {  	s0 =	sadd.s32 $0x8F2B, s0  }
0xbf: {  	[sflag:s0] =	ssyncadd.remote.s32 $0x1  }
0xc0: {  	_ =	sfence.sel $0xFFFF  }
0xc1: {  	[dreg:$0x0] =	wrdreg $0xFFFFFFFF;
	(pc) =	sbr.abs _section_cstart, $3  }
0xc2: {  	[dreg:$0x1] =	wrdreg $0xFFFFFFFF  }
0xc3: {  	_ =	task.clear_ibuf [dreg:s8], $0x2FFFF;
	_ =	strace $0x9FFFFFFF  }
0xc4: {  	(tm) =	ssettm $0x7FFFFFFF  }
0xc5: {  	_ =	shalt  }
tec
execute0_lowered:
.L_overlay_start_1:
0x0: {  	(tag) =	ssettag $0x1  }
0x1: {  	s0 =	srdreg.scid;
	s4 =	stileid.u32  }
0x2: {  	s8 =	sand.u32 $0x1, s0;
	s31 =	sshll.u32 s4, $0x1  }
0x3: {  	s0 =	sor.u32 s8, s31  }
0x4: {  	p0 =	seq.s32 s0, $0x1F  }
.Ltmp0:
0x5: {  	_ = 	snop;
	(pc) =	sbr.rel @p0 .LBB2_11-.Ltmp0, $4  }
0x6: {  	s1 =	rddreg [dreg:$0x0]  }
0x7: {  	s2 =	rddreg [dreg:$0x1];
	s4 =	simm.s32 $0x0  }
0x8: {  	[smem:$0x7FF] =	sst s4  }
0x9: {  	s3 =	rddreg [dreg:$0x2];
	_ =	strace $0x80000047  }
0xa: {  	s5 =	smul.u32 $0xE, s0;
	s6 =	sadd.s32 $0xE00, s2  }
0xb: {  	s7 =	sadd.s32 $0x13400, s2;
	s10 =	ssub.s32 $0x2, s8;
	s8 =	sadd.s32 $0x2A00, s2  }
0xc: {  	s9 =	sadd.s32 $0x20C00, s2;
	s12 =	simm.s32 $0x2;
	s13 =	simm.s32 $0x400  }
0xd: {  	s14 =	simm.s32 $0x2000;
	s15 =	simm.s32 $0x35D800;
	s16 =	simm.s32 $0x800  }
0xe: {  	s17 =	simm.s32 $0x14C00;
	s18 =	simm.s32 $0x80;
	s19 =	simm.s32 $0x10800  }
0xf: {  	s20 =	simm.s32 $0x1;
	s11 =	sshrl.u32 s10, $0x1;
	s0 =	ssub.s32 $0x1A8, s5  }
0x10: {  	s21 =	simm.s32 $0x14800;
	s30 =	ssub.s32 s10, s11;
	p0 =	sgt.s32 s0, $0x1  }
0x11: {  	s22 =	simm.s32 $0x0;
	s31 =	smax.u32 s30, $0x1;
	s0 =	simm.s32 @!p0 $0x1  }
0x12: {  	s23 =	simm.s32 $0x0;
	[dreg:$0x4] =	wrdreg s31;
	s10 =	smin.u32 s0, $0xE  }
.LBB2_2:
0x13: {  	s24 =	simm.s32 $0x0  }
.LBB2_3:
0x14: {  	s0 =	sadd.s32 s5, s24  }
0x15: {  	s25 =	sshll.u32 s0, $0x7  }
0x16: {  	s2 =	sadd.s32 s1, s25  }
0x17: {  	[tilespmem:s23], [sflag:$0x2] =	stream.linear.gather [hbm4b:s2+s23], $0x400, $0x38;
	[tilespmem:$0x14C80] =	vst v63  }
0x18: {  	_ =	swait.ge [sflag:s12], $0x400  }
0x19: {  	[sflag:s12] =	ssyncset.done $0x0  }
0x1a: {  	s30 =	sadd.s32 s7, s25;
	[sflag:s12] =	ssyncadd.s32 $0xFFFFFC00  }
0x1b: {  	[tilespmem:s13], [sflag:$0x2] =	stream.linear.gather [hbm4b:s30+s23], $0x400, $0x38;
	[tilespmem:$0x14C80] =	vst v63  }
0x1c: {  	_ =	swait.ge [sflag:s12], $0x400  }
0x1d: {  	s0 =	sshll.u32 s0, $0xA;
	[sflag:s12] =	ssyncset.done $0x0  }
0x1e: {  	s0 =	sadd.s32 s3, s0;
	[sflag:s12] =	ssyncadd.s32 $0xFFFFFC00  }
0x1f: {  	[tilespmem:s16], [sflag:$0x2] =	stream.strided.gather [hbm4b:s0+s14], $0x10000, s15, s14, $0x38;
	[tilespmem:$0x14C80] =	vst v63  }
0x20: {  	_ =	swait.ge [sflag:s12], $0x10000  }
0x21: {  	s31 =	sshrl.u32 s25, $0x3;
	[sflag:s12] =	ssyncset.done $0x0  }
0x22: {  	s0 =	sadd.s32 s6, s31;
	[sflag:s12] =	ssyncadd.s32 $0xFFFF0000  }
0x23: {  	[tilespmem:s17], [sflag:$0x2] =	stream.linear.gather [hbm4b:s0+s23], $0x80, $0x38;
	[tilespmem:$0x14C80] =	vst v63  }
0x24: {  	_ =	swait.ge [sflag:s12], $0x80  }
0x25: {  	[sflag:s12] =	ssyncset.done $0x0  }
0x26: {  	[sflag:s12] =	ssyncadd.s32 $0xFFFFFF80  }
0x27: {  	[tilespmem:s19], [sflag:$0x1] =	stream.indirect.gather [hbm4b:s8+s18], $0x80, s17, s18, $0xb8;
	[tilespmem:$0x14C80] =	vst v63  }
0x28: {  	_ =	swait.ge [sflag:s20], $0x4000  }
0x29: {  	[sflag:s20] =	ssyncset.done $0x0  }
0x2a: {  	s26 =	simm.s32 $0x0;
	[sflag:s20] =	ssyncadd.s32 $0xFFFFC000  }
.LBB2_4:
0x2b: {  	s2 =	simm.s32 $0x0  }
0x2c: {  	s29 =	sshrl.u32 s26, $0x3;
	s0 =	sand.u32 $0x38, s2  }
0x2d: {  	s0 =	sadd.s32 s29, s0  }
0x2e: {  	s0 =	sshll.u32 s0, $0xA  }
0x2f: {  	s28 =	sshll.u32 s26, $0x4;
	s31 =	sand.u32 $0x380, s2;
	s0 =	sand.u32 $0x3FFFFC00, s0  }
0x30: {  	s30 =	sand.u32 $0x70, s28;
	s0 =	sor.u32 s31, s0  }
0x31: {  	v1 =	vimm.f32 $-1.000000020e+30;
	v0 =	vld [tilespmem:s28+$0x0];
	s31 =	simm.s32 $0x1;
	s0 =	sor.u32 s30, s0  }
.LBB2_5:
0x32: {  	s11 =	sand.u32 $0x38, s31;
	p0 =	seq.s32 s31, $0x3F;
	s31 =	sadd.s32 $0x1, s31;
	v2 =	vld [tilespmem:s0+$0x800]  }
.Ltmp1:
0x33: {  	s0 =	sadd.s32 s29, s11;
	(pc) =	sbr.rel @!p0 .LBB2_5-.Ltmp1, $4  }
0x34: {  	s2 =	sadd.s32 $0x80, s2;
	s0 =	sshll.u32 s0, $0xA  }
0x35: {  	s11 =	sand.u32 $0x380, s2;
	s0 =	sand.u32 $0x3FFFFC00, s0  }
0x36: {  	s0 =	sor.u32 s11, s0  }
0x37: {  	s0 =	sor.u32 s30, s0;
	v1 =	vmax.f32 v1, v2  }
0x38: {  	v2 =	vld [tilespmem:s0+$0x800];
	_ =	sdelay $0x2  }
0x39: {  	s0 =	simm.s32 $0x0  }
0x3a: {  	s2 =	sand.u32 $0x38, s0  }
0x3b: {  	s2 =	sadd.s32 s29, s2;
	v1 =	vmax.f32 v1, v2;
	v2 =	vtrunc.f32 v0  }
0x3c: {  	s2 =	sshll.u32 s2, $0xA;
	v2 =	vcvt.f32.s32 v2  }
0x3d: {  	s0 =	sand.u32 $0x380, s0;
	s2 =	sand.u32 $0x3FFFFC00, s2  }
0x3e: {  	s11 =	simm.s32 $0x1;
	s0 =	sor.u32 s0, s2;
	v3 =	vcvt.s32.f32 v2  }
0x3f: {  	s11 =	sand.u32 $0x38, s11;
	s0 =	sor.u32 s30, s0  }
0x40: {  	s11 =	sadd.s32 s29, s11;
	v0 =	vsub.f32 v0, v3;
	v3 =	vld [tilespmem:s0+$0x800]  }
0x41: {  	s2 =	sshll.u32 s11, $0xA;
	s11 =	simm.s32 $0x80  }
0x42: {  	s11 =	sand.u32 $0x380, s11;
	s2 =	sand.u32 $0x3FFFFC00, s2  }
0x43: {  	s2 =	sor.u32 s11, s2  }
0x44: {  	s2 =	sor.u32 s30, s2  }
0x45: {  	s31 =	simm.s32 $0x2;
	v4 =	vld [tilespmem:s2+$0x800];
	v3 =	vsub.f32 v3, v1  }
0x46: {  	s11 =	sand.u32 $0x38, s31  }
0x47: {  	s11 =	sadd.s32 s29, s11;
	v3 =	vmul.f32 $1.442695020e+00, v3  }
0x48: {  	s0 =	sshll.u32 s11, $0xA;
	s11 =	simm.s32 $0x100  }
0x49: {  	s2 =	sand.u32 $0x380, s11;
	s0 =	sand.u32 $0x3FFFFC00, s0;
	(erf) = vpow2.f32 v3  }
0x4a: {  	s0 =	sor.u32 s2, s0;
	v4 =	vsub.f32 v4, v1  }
0x4b: {  	s11 =	simm.s32 $0x3;
	s0 =	sor.u32 s30, s0  }
0x4c: {  	s2 =	sand.u32 $0x38, s11;
	v5 =	vld [tilespmem:s0+$0x800];
	v4 =	vmul.f32 $1.442695020e+00, v4  }
0x4d: {  	v2 =	vadd.s32 $0x1, v2;
	s2 =	sadd.s32 s29, s2  }
0x4e: {  	s31 =	simm.s32 $0x180;
	v2 =	vcvt.s32.f32 v2;
	s0 =	sshll.u32 s2, $0xA;
	(erf) = vpow2.f32 v4  }
0x4f: {  	s11 =	sand.u32 $0x380, s31;
	s0 =	sand.u32 $0x3FFFFC00, s0  }
0x50: {  	v0 =	vadd.f32 v2, v0;
	s0 =	sor.u32 s11, s0  }
0x51: {  	v2 =	vimm.f32 $0.0e+00;
	s2 =	simm.s32 $0x4;
	s0 =	sor.u32 s30, s0;
	v3 =	vimm.f32 $0.0e+00;
	v4 =	vsub.f32 v5, v1  }
.LBB2_7:
0x52: {  	s11 =	sand.u32 $0x38, s2;
	p0 =	sne.s32 s2, $0x3F;
	s2 =	sadd.s32 $0x1, s2;
	v5 =	vld [tilespmem:s0+$0x800];
	v6 =	vpop (erf)  }
.Ltmp2:
0x53: {  	s0 =	sadd.s32 s29, s11;
	v4 =	vmul.f32 $1.442695020e+00, v4;
	v2 =	vadd.f32 v6, v2;
	v6 =	vmul.f32 v6, v0;
	(pc) =	sbr.rel @p0 .LBB2_7-.Ltmp2, $4  }
0x54: {  	s31 =	sadd.s32 $0x80, s31;
	s0 =	sshll.u32 s0, $0xA  }
0x55: {  	s11 =	sand.u32 $0x380, s31;
	s0 =	sand.u32 $0x3FFFFC00, s0;
	(erf) = vpow2.f32 v4;
	v3 =	vadd.f32 v6, v3  }
0x56: {  	s0 =	sor.u32 s11, s0  }
0x57: {  	s0 =	sor.u32 s30, s0;
	v4 =	vsub.f32 v5, v1  }
0x58: {  	v5 =	vld [tilespmem:s0+$0x800];
	_ =	sdelay $0x4  }
0x59: {  	v4 =	vmul.f32 $1.442695020e+00, v4;
	v1 =	vsub.f32 v5, v1;
	_ =	sdelay $0x1  }
0x5a: {  	(erf) = vpow2.f32 v4;
	v1 =	vmul.f32 $1.442695020e+00, v1;
	_ =	sdelay $0x1  }
0x5b: {  	(erf) = vpow2.f32 v1;
	_ =	sdelay $0x2  }
0x5c: {  	v56 =	vpop (erf)  }
0x5d: {  	v2 =	vadd.f32 v56, v2  }
0x5e: {  	v57 =	vpop (erf)  }
0x5f: {  	v2 =	vadd.f32 v57, v2  }
0x60: {  	v58 =	vpop (erf)  }
0x61: {  	v2 =	vadd.f32 v58, v2  }
0x62: {  	v6 =	vpop (erf)  }
0x63: {  	v2 =	vadd.f32 v6, v2;
	_ =	sdelay $0x1  }
0x64: {  	v1 =	vmul.f32 v56, v0;
	(erf) = vrcp.f32 v2;
	_ =	sdelay $0x1  }
0x65: {  	v59 =	vmul.f32 v57, v0;
	v1 =	vadd.f32 v1, v3;
	_ =	sdelay $0x1  }
0x66: {  	v1 =	vadd.f32 v59, v1;
	v60 =	vmul.f32 v58, v0;
	_ =	sdelay $0x1  }
0x67: {  	v1 =	vadd.f32 v60, v1;
	v61 =	vmul.f32 v6, v0  }
0x68: {  	v62 =	vld [tilespmem:s28+$0x400]  }
0x69: {  	s26 =	sadd.s32 $0x1, s26;
	v0 =	vadd.f32 v61, v1  }
0x6a: {  	p0 =	sne.s32 s26, $0x40;
	v63 =	vpop (erf)  }
.Ltmp3:
0x6b: {  	v0 =	vmul.f32 v63, v0;
	(pc) =	sbr.rel @p0 .LBB2_4-.Ltmp3, $3  }
0x6c: {  	_ = 	snop  }
0x6d: {  	v0 =	vmul.f32 v62, v0;
	_ =	sdelay $0x1  }
0x6e: {  	[tilespmem:s28+$0x14800] =	vst v0  }
0x6f: {  	s24 =	sadd.s32 $0x1, s24  }
0x70: {  	p0 =	sne.s32 s24, s10  }
.Ltmp4:
0x71: {  	s0 =	sadd.s32 s9, s25;
	(pc) =	sbr.rel @p0 .LBB2_3-.Ltmp4, $4  }
0x72: {  	[hbm4b:s0+s4] =	stream.linear.scatter [tilespmem:s21], [sflag:$0x2], $0x400, $0x38;
	[tilespmem:$0x14C80] =	vst v63  }
0x73: {  	_ =	swait.ge [sflag:s12], $0x400  }
0x74: {  	[sflag:s12] =	ssyncset.done $0x0  }
0x75: {  	[sflag:s12] =	ssyncadd.s32 $0xFFFFFC00  }
0x76: {  	s22 =	sadd.s32 $0x1, s22;
	s0 =	rddreg [dreg:$0x4]  }
0x77: {  	p0 =	sne.s32 s22, s0  }
.Ltmp5:
0x78: {  	_ = 	snop;
	(pc) =	sbr.rel @p0 .LBB2_2-.Ltmp5, $1  }
0x79: {  	_ =	sdelay $0x3  }
.LBB2_11:
0x7a: {  	_ =	sfence.sel $0x180000  }
0x7b: {  	[bflag:$0x0] =	sbarrier.arrive $0xFFFF  }
0x7c: {  	_ =	strace $0x90000047  }
0x7d: {  	s0 =	stileid.u32;
	[bflag:$0x2] =	sbarrier.arrive $0xFFFF  }
0x7e: {  	p0 =	sne.s32 s0, $0x0;
	s0 =	rddreg [dreg:$0x3]  }
0x7f: {  	s0 =	sadd.s32 @!p0 $0x100000, s0  }
0x80: {  	[sflag:s0] =	ssyncadd.tile.s32 @!p0 $0x1;
	_ =	shalt  }
.Lfunc_end2:
_tile_overlayer_lowered:
.L_overlay_start_2:
0x81: {  	(tag) =	ssettag $0x2  }
0x82: {  	s0 =	rddreg [dreg:$0x0];
	s2 =	stileid.u32  }
0x83: {  	s1 =	rddreg [dreg:$0x1];
	p0 =	sne.s32 s2, $0x0  }
0x84: {  	s3 =	rddreg [dreg:$0x2];
	[bflag:$0x3] =	sbarrier.arrive $0xFFFF;
	s2 =	simm.s32 @!p0 $0x1C02  }
0x85: {  	[timem:s3], [sflag:s2] =	dma.local @!p0 [hbm:s0], s1  }
0x86: {  	s0 =	simm.s32 @!p0 $0x2  }
0x87: {  	_ =	swait.ge @!p0 [sflag:s0], s1  }
0x88: {  	s1 =	ssub.s32 @!p0 $0x0, s1;
	[sflag:s0] =	ssyncset.done @!p0 $0x0  }
0x89: {  	[sflag:s0] =	ssyncadd.s32 @!p0 s1  }
0x8a: {  	[bflag:$0x3] =	sbarrier.arrive $0xFFFF  }
0x8b: {  	_ =	shalt  }

</sc_bundles>
